<compile_context>
chip_gen: v7x
topology: tpu7x:2x2x1
jax: 0.10.2.dev20260603
libtpu: 0.0.44.dev20260713+nightly
codegen_flags: <defaults>
</compile_context>

<pallas_src>
import jax
import jax.numpy as jnp
from jax.experimental import pallas as pl
from jax.experimental.pallas import tpu as pltpu

B = 512
MN, ME, MC = 256, 512, 128
N, E, C = 131072, 262144, 65536
D = 128
OUT = 10


def _pool(x, bidx, pidx, maxn):
    mask = jnp.zeros((B, maxn), dtype=x.dtype).at[bidx, pidx].set(1.0)
    dense = jnp.zeros((B, maxn, x.shape[-1]), dtype=x.dtype).at[bidx, pidx].set(x)
    return jnp.einsum('bm,bmd->bd', mask, dense)


def _mlp_body(xn_ref, xe_ref, xc_ref, W1n_ref, b1n_ref, W1e_ref, b1e_ref,
              W1c_ref, b1c_ref, W2_ref, b2_ref, out_ref):
    hn = jax.nn.relu(xn_ref[...] @ W1n_ref[...] + b1n_ref[...])
    he = jax.nn.relu(xe_ref[...] @ W1e_ref[...] + b1e_ref[...])
    hc = jax.nn.relu(xc_ref[...] @ W1c_ref[...] + b1c_ref[...])
    h = jnp.concatenate([hn, he, hc], axis=-1)
    out_ref[...] = h @ W2_ref[...] + b2_ref[...]


def kernel(n_atom, e_bond, e_bnd_nodes, e_bnd_edges, c_bnd_edges, c_bnd_cells,
           n_bidx, n_pidx, e_bidx, e_pidx, c_bidx, c_pidx,
           atom_emb, bond_emb, W1n, b1n, W1e, b1e, W1c, b1c, W2, b2):
    vx = jnp.take(atom_emb, n_atom, axis=0)
    ex = jax.ops.segment_sum(jnp.take(vx, e_bnd_nodes, axis=0),
                             e_bnd_edges, num_segments=E)
    ex = ex + jnp.take(bond_emb, e_bond, axis=0)
    cx = jax.ops.segment_sum(jnp.take(ex, c_bnd_edges, axis=0),
                             c_bnd_cells, num_segments=C)
    xn = _pool(vx, n_bidx, n_pidx, MN)
    xe = _pool(ex, e_bidx, e_pidx, ME)
    xc = _pool(cx, c_bidx, c_pidx, MC)
    out = pl.pallas_call(
        _mlp_body,
        out_shape=jax.ShapeDtypeStruct((B, OUT), jnp.float32),
    )(xn, xe, xc, W1n, b1n, W1e, b1e, W1c, b1c, W2, b2)
    return out

# --- scband reference (transcript-rebuilt; emitter-appended) ---
"""Pipeline reference for scband-tgaa-mlp-42941083025520 (READ-ONLY COPY).

The authoritative reference and input builder live on the scoring server;
editing this copy changes nothing except your own understanding.
"""

import jax, jax.numpy as jnp
import numpy as np

B = 512
MN, ME, MC = 256, 512, 128
N, E, C = 131072, 262144, 65536
D = 128
ATOM_TYPES, BOND_TYPES = 100, 10
OUT = 10

def setup_inputs(seed: int = 0) -> dict:
    key = jax.random.key(seed)
    ks = jax.random.split(key, 20)
    inp = {}
    inp["n_atom"] = jax.random.randint(ks[0], (N,), 0, ATOM_TYPES)
    inp["e_bond"] = jax.random.randint(ks[1], (E,), 0, BOND_TYPES)
    inp["e_bnd_nodes"] = jax.random.randint(ks[2], (2 * E,), 0, N)
    inp["e_bnd_edges"] = jnp.sort(jax.random.randint(ks[3], (2 * E,), 0, E))
    inp["c_bnd_edges"] = jax.random.randint(ks[4], (3 * C,), 0, E)
    inp["c_bnd_cells"] = jnp.sort(jax.random.randint(ks[5], (3 * C,), 0, C))
    inp["n_bidx"] = jnp.sort(jax.random.randint(ks[6], (N,), 0, B))
    inp["n_pidx"] = jax.random.randint(ks[7], (N,), 0, MN)
    inp["e_bidx"] = jnp.sort(jax.random.randint(ks[8], (E,), 0, B))
    inp["e_pidx"] = jax.random.randint(ks[9], (E,), 0, ME)
    inp["c_bidx"] = jnp.sort(jax.random.randint(ks[10], (C,), 0, B))
    inp["c_pidx"] = jax.random.randint(ks[11], (C,), 0, MC)
    s = 0.05
    inp["atom_emb"] = jax.random.normal(ks[12], (ATOM_TYPES, D), dtype=jnp.float32) * s
    inp["bond_emb"] = jax.random.normal(ks[13], (BOND_TYPES, D), dtype=jnp.float32) * s
    inp["W1n"] = jax.random.normal(ks[14], (D, 2 * D), dtype=jnp.float32) * s
    inp["b1n"] = jnp.zeros((2 * D,), dtype=jnp.float32)
    inp["W1e"] = jax.random.normal(ks[15], (D, 2 * D), dtype=jnp.float32) * s
    inp["b1e"] = jnp.zeros((2 * D,), dtype=jnp.float32)
    inp["W1c"] = jax.random.normal(ks[16], (D, 2 * D), dtype=jnp.float32) * s
    inp["b1c"] = jnp.zeros((2 * D,), dtype=jnp.float32)
    inp["W2"] = jax.random.normal(ks[17], (3 * 2 * D, OUT), dtype=jnp.float32) * s
    inp["b2"] = jnp.zeros((OUT,), dtype=jnp.float32)
    return inp

def _pool(x, bidx, pidx, maxn):
    # get_dense_x: scatter flat cochain features into dense [B, max_num, D],
    # build x_mask via scatter-set, then matmul(mask.unsqueeze(1), dense).squeeze(1)
    mask = jnp.zeros((B, maxn), dtype=x.dtype).at[bidx, pidx].set(1.0)
    dense = jnp.zeros((B, maxn, x.shape[-1]), dtype=x.dtype).at[bidx, pidx].set(x)
    return jnp.einsum('bm,bmd->bd', mask, dense)

def reference(n_atom, e_bond, e_bnd_nodes, e_bnd_edges, c_bnd_edges, c_bnd_cells,
              n_bidx, n_pidx, e_bidx, e_pidx, c_bidx, c_pidx,
              atom_emb, bond_emb, W1n, b1n, W1e, b1e, W1c, b1c, W2, b2):
    # init_conv (EmbedVEWithReduce + InitReduceConv(reduce='sum')):
    vx = jnp.take(atom_emb, n_atom, axis=0)                     # [N, D] vertex embed
    ex = jax.ops.segment_sum(jnp.take(vx, e_bnd_nodes, axis=0), # reduce boundary nodes -> edges
                             e_bnd_edges, num_segments=E)
    ex = ex + jnp.take(bond_emb, e_bond, axis=0)                # [E, D] edge embed
    cx = jax.ops.segment_sum(jnp.take(ex, c_bnd_edges, axis=0), # reduce boundary edges -> cells
                             c_bnd_cells, num_segments=C)        # [C, D]
    # per-dim dense scatter + masked sum readout
    xn = _pool(vx, n_bidx, n_pidx, MN)
    xe = _pool(ex, e_bidx, e_pidx, ME)
    xc = _pool(cx, c_bidx, c_pidx, MC)
    hn = jax.nn.relu(xn @ W1n + b1n)
    he = jax.nn.relu(xe @ W1e + b1e)
    hc = jax.nn.relu(xc @ W1c + b1c)
    out = jnp.concatenate([hn, he, hc], axis=-1)                # dropout p=0 -> identity
    return out @ W2 + b2                                         # [B, OUT]

if __name__ == "__main__":
    import jax
    _d = setup_inputs()
    print(jax.jit(kernel)(*tuple(_d.values())))

</pallas_src>

<mosaic_0001>
module attributes {stable_mosaic.version = 14 : i64} {
  func.func @_mlp_body(%arg0: memref<512x128xf32, #tpu.memory_space<vmem>>, %arg1: memref<512x128xf32, #tpu.memory_space<vmem>>, %arg2: memref<512x128xf32, #tpu.memory_space<vmem>>, %arg3: memref<128x256xf32, #tpu.memory_space<vmem>>, %arg4: memref<256xf32, #tpu.memory_space<vmem>>, %arg5: memref<128x256xf32, #tpu.memory_space<vmem>>, %arg6: memref<256xf32, #tpu.memory_space<vmem>>, %arg7: memref<128x256xf32, #tpu.memory_space<vmem>>, %arg8: memref<256xf32, #tpu.memory_space<vmem>>, %arg9: memref<768x10xf32, #tpu.memory_space<vmem>>, %arg10: memref<10xf32, #tpu.memory_space<vmem>>, %arg11: memref<512x10xf32, #tpu.memory_space<vmem>>) attributes {dimension_semantics = [], scalar_prefetch = 0 : i64, scratch_operands = 0 : i64, tpu.core_type = #tpu.core_type<tc>} {
    %get3A = arith.constant 0 : index
    %get3A_0 = arith.constant 0 : index
    %get3A_1 = vector.load %arg0[%get3A, %get3A_0] : memref<512x128xf32, #tpu.memory_space<vmem>>, vector<512x128xf32>
    %get3A_2 = arith.constant 0 : index
    %get3A_3 = arith.constant 0 : index
    %get3A_4 = vector.load %arg3[%get3A_2, %get3A_3] : memref<128x256xf32, #tpu.memory_space<vmem>>, vector<128x256xf32>
    %dot_general3A = arith.constant dense<0.000000e+00> : vector<512x256xf32>
    %dot_general3A_5 = tpu.matmul %get3A_1, %get3A_4, %dot_general3A {dimension_numbers = #tpu.dot_dimension_numbers<[1], [0], [0], [1], [0, 0, 1, 1], [], []>, transpose_lhs_hint = false} : vector<512x128xf32>, vector<128x256xf32>, vector<512x256xf32> -> vector<512x256xf32>
    %get3A_6 = arith.constant 0 : index
    %get3A_7 = vector.load %arg4[%get3A_6] : memref<256xf32, #tpu.memory_space<vmem>>, vector<256xf32>
    %broadcast_in_dim3A = vector.shape_cast %get3A_7 : vector<256xf32> to vector<1x256xf32>
    %add3A = vector.broadcast %broadcast_in_dim3A : vector<1x256xf32> to vector<512x256xf32>
    %add3A_8 = arith.addf %dot_general3A_5, %add3A : vector<512x256xf32>
    %max3A = arith.constant 0.000000e+00 : f32
    %max3A_9 = vector.broadcast %max3A : f32 to vector<512x256xf32>
    %max3A_10 = arith.maximumf %add3A_8, %max3A_9 : vector<512x256xf32>
    %get3A_11 = arith.constant 0 : index
    %get3A_12 = arith.constant 0 : index
    %get3A_13 = vector.load %arg1[%get3A_11, %get3A_12] : memref<512x128xf32, #tpu.memory_space<vmem>>, vector<512x128xf32>
    %get3A_14 = arith.constant 0 : index
    %get3A_15 = arith.constant 0 : index
    %get3A_16 = vector.load %arg5[%get3A_14, %get3A_15] : memref<128x256xf32, #tpu.memory_space<vmem>>, vector<128x256xf32>
    %dot_general3A_17 = arith.constant dense<0.000000e+00> : vector<512x256xf32>
    %dot_general3A_18 = tpu.matmul %get3A_13, %get3A_16, %dot_general3A_17 {dimension_numbers = #tpu.dot_dimension_numbers<[1], [0], [0], [1], [0, 0, 1, 1], [], []>, transpose_lhs_hint = false} : vector<512x128xf32>, vector<128x256xf32>, vector<512x256xf32> -> vector<512x256xf32>
    %get3A_19 = arith.constant 0 : index
    %get3A_20 = vector.load %arg6[%get3A_19] : memref<256xf32, #tpu.memory_space<vmem>>, vector<256xf32>
    %broadcast_in_dim3A_21 = vector.shape_cast %get3A_20 : vector<256xf32> to vector<1x256xf32>
    %add3A_22 = vector.broadcast %broadcast_in_dim3A_21 : vector<1x256xf32> to vector<512x256xf32>
    %add3A_23 = arith.addf %dot_general3A_18, %add3A_22 : vector<512x256xf32>
    %max3A_24 = arith.constant 0.000000e+00 : f32
    %max3A_25 = vector.broadcast %max3A_24 : f32 to vector<512x256xf32>
    %max3A_26 = arith.maximumf %add3A_23, %max3A_25 : vector<512x256xf32>
    %get3A_27 = arith.constant 0 : index
    %get3A_28 = arith.constant 0 : index
    %get3A_29 = vector.load %arg2[%get3A_27, %get3A_28] : memref<512x128xf32, #tpu.memory_space<vmem>>, vector<512x128xf32>
    %get3A_30 = arith.constant 0 : index
    %get3A_31 = arith.constant 0 : index
    %get3A_32 = vector.load %arg7[%get3A_30, %get3A_31] : memref<128x256xf32, #tpu.memory_space<vmem>>, vector<128x256xf32>
    %dot_general3A_33 = arith.constant dense<0.000000e+00> : vector<512x256xf32>
    %dot_general3A_34 = tpu.matmul %get3A_29, %get3A_32, %dot_general3A_33 {dimension_numbers = #tpu.dot_dimension_numbers<[1], [0], [0], [1], [0, 0, 1, 1], [], []>, transpose_lhs_hint = false} : vector<512x128xf32>, vector<128x256xf32>, vector<512x256xf32> -> vector<512x256xf32>
    %get3A_35 = arith.constant 0 : index
    %get3A_36 = vector.load %arg8[%get3A_35] : memref<256xf32, #tpu.memory_space<vmem>>, vector<256xf32>
    %broadcast_in_dim3A_37 = vector.shape_cast %get3A_36 : vector<256xf32> to vector<1x256xf32>
    %add3A_38 = vector.broadcast %broadcast_in_dim3A_37 : vector<1x256xf32> to vector<512x256xf32>
    %add3A_39 = arith.addf %dot_general3A_34, %add3A_38 : vector<512x256xf32>
    %max3A_40 = arith.constant 0.000000e+00 : f32
    %max3A_41 = vector.broadcast %max3A_40 : f32 to vector<512x256xf32>
    %max3A_42 = arith.maximumf %add3A_39, %max3A_41 : vector<512x256xf32>
    %concatenate3A = tpu.concatenate %max3A_10, %max3A_26, %max3A_42 in 1 : vector<512x256xf32>, vector<512x256xf32>, vector<512x256xf32> -> vector<512x768xf32>
    %get3A_43 = arith.constant 0 : index
    %get3A_44 = arith.constant 0 : index
    %get3A_45 = vector.load %arg9[%get3A_43, %get3A_44] : memref<768x10xf32, #tpu.memory_space<vmem>>, vector<768x10xf32>
    %dot_general3A_46 = arith.constant dense<0.000000e+00> : vector<512x10xf32>
    %dot_general3A_47 = tpu.matmul %concatenate3A, %get3A_45, %dot_general3A_46 {dimension_numbers = #tpu.dot_dimension_numbers<[1], [0], [0], [1], [0, 0, 1, 1], [], []>, transpose_lhs_hint = false} : vector<512x768xf32>, vector<768x10xf32>, vector<512x10xf32> -> vector<512x10xf32>
    %get3A_48 = arith.constant 0 : index
    %get3A_49 = vector.load %arg10[%get3A_48] : memref<10xf32, #tpu.memory_space<vmem>>, vector<10xf32>
    %broadcast_in_dim3A_50 = vector.shape_cast %get3A_49 : vector<10xf32> to vector<1x10xf32>
    %add3A_51 = vector.broadcast %broadcast_in_dim3A_50 : vector<1x10xf32> to vector<512x10xf32>
    %add3A_52 = arith.addf %dot_general3A_47, %add3A_51 : vector<512x10xf32>
    %swap3A = arith.constant 0 : index
    %swap3A_53 = arith.constant 0 : index
    %swap3A_54 = vector.load %arg11[%swap3A, %swap3A_53] : memref<512x10xf32, #tpu.memory_space<vmem>>, vector<512x10xf32>
    tpu.vector_store %arg11[%swap3A, %swap3A_53], %add3A_52 {strides = array<i32>} : memref<512x10xf32, #tpu.memory_space<vmem>>, vector<512x10xf32>,
    return
  }
}

</mosaic_0001>

<sc_bundles>
// kernel: gather_offload_async_start.1
scs
__scs_entry_jumppad:
0x0: {  	(pc) =	sbr.rel $0x88, $3  }
0x1: {  	(tag) =	ssettag $0x0;
	lr =	simm.s32 $0x1  }
0x2: {  	[smem:$0x3F8B] =	sst lr;
	_ =	strace $0xD0000000  }
0x3: {  	_ = 	snop  }
0x4: {  	_ = 	snop  }
0x5: {  	_ = 	snop  }
0x6: {  	_ = 	snop  }
0x7: {  	_ = 	snop  }
__scs_overlays_trampoline_lowered:
0x8: {  	[smem:$0x3F9A] =	sst s0  }
0x9: {  	[smem:$0x3F9B] =	sst s1  }
0xa: {  	[smem:$0x3F9C] =	sst s2  }
0xb: {  	[smem:$0x3F9D] =	sst s3  }
0xc: {  	[smem:$0x3F9E] =	sst s4  }
0xd: {  	[smem:$0x3F9F] =	sst s5  }
0xe: {  	[smem:$0x3FA0] =	sst s6  }
0xf: {  	[smem:$0x3FA1] =	sst s7  }
0x10: {  	[smem:$0x3FA2] =	sst s8  }
0x11: {  	[smem:$0x3FA3] =	sst s9;
	s0 =	simm.s32 @!p0 $0x0  }
0x12: {  	s1 =	sld [smem:$0x3F89];
	s0 =	simm.s32 @p0 $0x1  }
0x13: {  	[smem:$0x3FA4] =	sst s0;
	s0 =	simm.s32 @!p1 $0x0  }
0x14: {  	s2 =	sld [smem:$0x3F88];
	s0 =	simm.s32 @p1 $0x1  }
0x15: {  	[smem:$0x3FA5] =	sst s0;
	s0 =	simm.s32 @!p2 $0x0  }
0x16: {  	s3 =	sld [smem:$0x3FDB];
	s0 =	simm.s32 @p2 $0x1  }
0x17: {  	s4 =	simm.s32 $0x1BF5;
	[smem:$0x3FA7] =	sst s0  }
0x18: {  	s0 =	sld [smem:$0x3F8A];
	_ =	swait.ge [sflag:s4], $0x0  }
0x19: {  	s7 =	sld [smem:$0x3F8B]  }
0x1a: {  	s8 =	sadd.s32 $0xFFFFE003, lr  }
0x1b: {  	s9 =	sadd.s32 $0xFFFFFEF7, lr;
	s5 =	simm.s32 $0xFFFFFFFF;
	p2 =	slt.u32 s8, $0xFFFFF086  }
0x1c: {  	p1 =	slt.u32 s9, $0xF7A;
	s5 =	simm.s32 @!p2 $0x0  }
0x1d: {  	s5 =	simm.s32 @p1 $0x1;
	p0 =	seq.s32 s7, s2  }
0x1e: {  	s7 =	smul.u32 @!p0 $0xF7A, s2;
	p2 =	seq.s32 @!p0 s5, $0x0  }
0x1f: {  	s9 =	smul.u32 $0xF7A, s1;
	s8 =	simm.s32 @!p0 $0x1BF5;
	p2 =	por !p2, p0  }
0x20: {  	[sflag:s8] =	ssyncset.s32 @!p0 $0xFFFFF086;
	s6 =	sadd.s32 @!p0 s3, s7;
	s7 =	simm.s32 @!p0 $0x108  }
0x21: {  	s3 =	sadd.s32 s3, s9;
	s6 =	sadd.s32 @!p0 $0x88, s6;
	s7 =	simm.s32 @p2 $0x1082  }
0x22: {  	[simem:s7], [sflag:s8] =	dma.local @!p0 [hbm:s6], $0xF7A  }
0x23: {  	s9 =	sor.u32 $0xD0000000, s2;
	s6 =	simm.s32 $0x108;
	_ =	swait.ge @!p0 [sflag:s8], $0x0  }
0x24: {  	s3 =	sadd.s32 $0x88, s3;
	s6 =	simm.s32 @!p1 $0x1082;
	[sflag:s4] =	ssyncset.s32 $0xFFFFF086  }
0x25: {  	[simem:s6], [sflag:s4] =	dma.local [hbm:s3], $0xF7A  }
0x26: {  	[smem:$0x3F8B] =	sst s1;
	(tag) =	ssettag s2;
	_ =	strace s9  }
0x27: {  	s1 =	sld [smem:$0x3F9B]  }
0x28: {  	s2 =	sld [smem:$0x3F9C]  }
0x29: {  	s4 =	sld [smem:$0x3F9E]  }
0x2a: {  	p0 =	seq.s32 s5, $0x0;
	s5 =	sld [smem:$0x3F9F]  }
0x2b: {  	s6 =	sld [smem:$0x3FA0]  }
0x2c: {  	s7 =	sld [smem:$0x3FA1]  }
0x2d: {  	s3 =	simm.s32 $0x108;
	s8 =	sld [smem:$0x3FA2]  }
0x2e: {  	s3 =	simm.s32 @!p0 $0x1082;
	s9 =	sld [smem:$0x3FA3]  }
0x2f: {  	lr =	sadd.s32 s0, s3;
	s0 =	sld [smem:$0x3F9A]  }
0x30: {  	s3 =	sld [smem:$0x3F9D]  }
0x31: {  	[smem:$0x3FA6] =	sst s10  }
0x32: {  	s10 =	sld [smem:$0x3FA4];
	_ =	sdelay $0x3  }
0x33: {  	p0 =	seq.s32 s10, $0x1;
	s10 =	sld [smem:$0x3FA6];
	_ =	sdelay $0x3  }
0x34: {  	[smem:$0x3FA6] =	sst s10  }
0x35: {  	s10 =	sld [smem:$0x3FA5];
	_ =	sdelay $0x3  }
0x36: {  	p1 =	seq.s32 s10, $0x1;
	s10 =	sld [smem:$0x3FA6];
	_ =	sdelay $0x3  }
0x37: {  	[smem:$0x3FA6] =	sst s10  }
0x38: {  	s10 =	sld [smem:$0x3FA7]  }
0x39: {  	_ = 	snop;
	(pc) =	sbr.ind lr, $3  }
0x3a: {  	_ = 	snop  }
0x3b: {  	_ = 	snop  }
0x3c: {  	p2 =	seq.s32 s10, $0x1;
	s10 =	sld [smem:$0x3FA6]  }
0x3d: {  	_ =	shalt  }
0x3e: {  	_ =	shalt  }
0x3f: {  	_ =	shalt  }
0x40: {  	_ =	shalt  }
0x41: {  	_ =	shalt  }
0x42: {  	_ =	shalt  }
0x43: {  	_ =	shalt  }
0x44: {  	_ =	shalt  }
0x45: {  	_ =	shalt  }
0x46: {  	_ =	shalt  }
0x47: {  	_ =	shalt  }
0x48: {  	_ =	shalt  }
0x49: {  	_ =	shalt  }
0x4a: {  	_ =	shalt  }
0x4b: {  	_ =	shalt  }
0x4c: {  	_ =	shalt  }
0x4d: {  	_ =	shalt  }
0x4e: {  	_ =	shalt  }
0x4f: {  	_ =	shalt  }
0x50: {  	_ =	shalt  }
0x51: {  	_ =	shalt  }
0x52: {  	_ =	shalt  }
0x53: {  	_ =	shalt  }
0x54: {  	_ =	shalt  }
0x55: {  	_ =	shalt  }
0x56: {  	_ =	shalt  }
0x57: {  	_ =	shalt  }
0x58: {  	_ =	shalt  }
0x59: {  	_ =	shalt  }
0x5a: {  	_ =	shalt  }
0x5b: {  	_ =	shalt  }
0x5c: {  	_ =	shalt  }
0x5d: {  	_ =	shalt  }
0x5e: {  	_ =	shalt  }
0x5f: {  	_ =	shalt  }
0x60: {  	_ =	shalt  }
0x61: {  	_ =	shalt  }
0x62: {  	_ =	shalt  }
0x63: {  	_ =	shalt  }
0x64: {  	_ =	shalt  }
0x65: {  	_ =	shalt  }
0x66: {  	_ =	shalt  }
0x67: {  	_ =	shalt  }
0x68: {  	_ =	shalt  }
0x69: {  	_ =	shalt  }
0x6a: {  	_ =	shalt  }
0x6b: {  	_ =	shalt  }
0x6c: {  	_ =	shalt  }
0x6d: {  	_ =	shalt  }
0x6e: {  	_ =	shalt  }
0x6f: {  	_ =	shalt  }
0x70: {  	_ =	shalt  }
0x71: {  	_ =	shalt  }
0x72: {  	_ =	shalt  }
0x73: {  	_ =	shalt  }
0x74: {  	_ =	shalt  }
0x75: {  	_ =	shalt  }
0x76: {  	_ =	shalt  }
0x77: {  	_ =	shalt  }
0x78: {  	_ =	shalt  }
0x79: {  	_ =	shalt  }
0x7a: {  	_ =	shalt  }
0x7b: {  	_ =	shalt  }
0x7c: {  	_ =	shalt  }
0x7d: {  	_ =	shalt  }
0x7e: {  	_ =	shalt  }
0x7f: {  	_ =	shalt  }
0x80: {  	_ =	shalt  }
0x81: {  	_ =	shalt  }
0x82: {  	_ =	shalt  }
0x83: {  	_ =	shalt  }
0x84: {  	_ =	shalt  }
0x85: {  	_ =	shalt  }
0x86: {  	_ =	shalt  }
0x87: {  	_ =	shalt  }
.Lfunc_end0:
.L_simem_size_0:
called_computation.3_lowered:
.L_overlay_start_0:
0x88: {  	s2 =	sld [smem:$0x3FD9]  }
0x89: {  	s3 =	sld [smem:$0x3FFE];
	_ =	sdelay $0x1  }
0x8a: {  	s1 =	srdreg.scid  }
0x8b: {  	s0 =	sand.u32 $0x1, s1  }
0x8c: {  	s16 =	sshll.u32 s0, $0xA;
	s2 =	sadd.s32 s3, s2  }
0x8d: {  	s2 =	sadd.s32 s2, s16  }
0x8e: {  	[smem:$0x3FB2] =	sst s2  }
0x8f: {  	_ = 	snop  }
0x90: {  	(tm) =	ssettm $0x1  }
0x91: {  	s17 =	sld [smem:$0x3FFB];
	_ =	sdelay $0x3  }
0x92: {  	_ =	strace s17  }
0x93: {  	s2 =	sld [smem:$0x3FFC];
	_ =	sdelay $0x3  }
0x94: {  	_ =	strace s2  }
0x95: {  	s2 =	sld [smem:$0x3FFD];
	_ =	sdelay $0x3  }
0x96: {  	_ =	strace s2  }
0x97: {  	_ =	strace $0x8FFFFFFF  }
0x98: {  	s18 =	sld [smem:$0x3FDB];
	_ =	sdelay $0x1  }
0x99: {  	s19 =	simm.s32 $_scs_section_size  }
0x9a: {  	s4 =	simm.s32 $_size__tile_overlayer_lowered;
	s5 =	simm.s32 $_tile_overlayer_lowered  }
0x9b: {  	s22 =	simm.s32 $0x1BFF;
	s21 =	sshll.u32 s5, $0x1;
	s2 =	sadd.s32 s19, s18  }
0x9c: {  	s6 =	simm.s32 $0x0;
	s20 =	sshll.u32 s4, $0x1;
	s4 =	sadd.s32 s21, s2  }
0x9d: {  	[timem:s6], [sflag:s22] =	dma.local [hbm:s4], s20  }
0x9e: {  	_ =	swait.ge [sflag:s22], s20  }
0x9f: {  	s3 =	ssub.s32 $0x0, s20;
	[sflag:s22] =	ssyncset.done $0x0  }
0xa0: {  	[sflag:s22] =	ssyncadd.s32 s3;
	_ =	sdelay $0x1  }
0xa1: {  	s23 =	simm.s32 $0x1B8B  }
0xa2: {  	_ =	swait.ge [sflag:s23], $0x1  }
0xa3: {  	[sflag:s23] =	ssyncset.done $0x0  }
0xa4: {  	s25 =	simm.s32 $0x1B8E;
	s24 =	sld [smem:$0x3FFE];
	[sflag:s23] =	ssyncadd.s32 $0xFFFFFFFF  }
0xa5: {  	s26 =	simm.s32 $execute0_lowered;
	[smem:$0x3FD2] =	sst s25  }
0xa6: {  	s4 =	sshll.u32 s26, $0x1;
	_ =	strace $0x8000004C;
	[dreg:$0x1] =	wrdreg $0xFFFFFFFF  }
0xa7: {  	s28 =	simm.s32 $_size_execute0_lowered;
	s2 =	sadd.s32 s2, s4;
	[dreg:$0x0] =	wrdreg $0x0  }
0xa8: {  	s4 =	sshll.u32 s28, $0x1;
	[dreg:$0x2] =	wrdreg s2  }
0xa9: {  	[dreg:$0x3] =	wrdreg s4  }
0xaa: {  	[dreg:$0x4] =	wrdreg $0xC0  }
0xab: {  	_ =	task [dreg:s6], $0x5FFFF  }
0xac: {  	[dreg:$0x1] =	wrdreg $0xFFFFFFFF  }
0xad: {  	[dreg:$0x0] =	wrdreg $0x60  }
0xae: {  	[dreg:$0x2] =	wrdreg s24  }
0xaf: {  	[dreg:$0x3] =	wrdreg $0x9  }
0xb0: {  	_ =	task.clear_ibuf [dreg:s6], $0x4FFFF;
	_ =	strace $0x9000004C  }
0xb1: {  	s29 =	simm.s32 $0x9;
	_ =	strace $0x8000004E  }
0xb2: {  	_ =	swait.ge [sflag:s29], $0x1  }
0xb3: {  	[sflag:s29] =	ssyncadd.s32 $0xFFFFFFFF  }
0xb4: {  	_ =	strace $0x9000004E  }
0xb5: {  	_ =	sfence  }
0xb6: {  	s30 =	sld [smem:$0x0];
	_ =	sdelay $0x2  }
0xb7: {  	s31 =	sshll.u32 s1, $0xD;
	s1 =	sshrl.u32 s1, $0x2  }
0xb8: {  	s3 =	sand.u32 $0x4000, s31;
	s1 =	sadd.s32 s1, s30  }
0xb9: {  	s0 =	sor.u32 s3, s0;
	s1 =	sshll.u32 s1, $0x11  }
0xba: {  	s0 =	sor.u32 s1, s0  }
0xbb: {  	s0 =	sadd.s32 $0x8F2B, s0  }
0xbc: {  	[sflag:s0] =	ssyncadd.remote.s32 $0x1  }
0xbd: {  	_ =	sfence.sel $0xFFFF  }
0xbe: {  	[dreg:$0x0] =	wrdreg $0xFFFFFFFF;
	(pc) =	sbr.abs _section_cstart, $3  }
0xbf: {  	[dreg:$0x1] =	wrdreg $0xFFFFFFFF  }
0xc0: {  	_ =	task.clear_ibuf [dreg:s6], $0x2FFFF;
	_ =	strace $0x9FFFFFFF  }
0xc1: {  	(tm) =	ssettm $0x7FFFFFFF  }
tec
execute0_lowered:
.L_overlay_start_1:
0x0: {  	(tag) =	ssettag $0x1  }
0x1: {  	s7 =	rddreg [dreg:$0x0]  }
0x2: {  	s1 =	srdreg.scid;
	s0 =	rddreg [dreg:$0x1]  }
0x3: {  	_ =	strace $0x8000004D;
	s3 =	simm.s32 $0x1;
	s5 =	simm.s32 $0x2  }
0x4: {  	s9 =	simm.s32 $0x3;
	s11 =	simm.s32 $0x0;
	s2 =	sshll.u32 s1, $0x4  }
.Ltmp0:
0x5: {  	s1 =	stileid.u32;
	s4 =	sand.u32 $0x10, s2;
	(pc) =	sbr.rel .LBB2_1-.Ltmp0, $4  }
0x6: {  	p0 =	por $0x0, $0x0;
	[sflag:s3] =	ssyncpa.u1 $0x0;
	s4 =	sor.u32 s1, s4  }
0x7: {  	s6 =	sadd.s32 $0x21F000, s7;
	[sflag:s5] =	ssyncpa.u1 $0x0;
	s4 =	smul.u32 $0x1800, s4  }
0x8: {  	s2 =	sadd.s32 $0xE4F000, s7;
	s7 =	sadd.s32 $0x225000, s7;
	[sflag:s9] =	ssyncpa.u1 $0x0  }
0x9: {  	vm0 =	vmmov $0xff;
	vm1 =	vcmask $0x3F20;
	s9 =	simm.s32 $0x0;
	s8 =	sadd.s32 $0x1800, s4;
	s10 =	smov.u32 s4  }
.LBB2_6:
0xa: {  	[hbm:s15] =	stream.linear.scatter [tilespmem:s12], [sflag:$0x3], $0x400, $0x38;
	[tilespmem:$0x18300] =	vst v63  }
.LBB2_7:
0xb: {  	p1 =	slt.u32 s9, $0x2;
	s11 =	sadd.s32 $0x180, s10  }
0xc: {  	s13 =	smov.u32 s4;
	s9 =	sadd.s32 $0x1, s9;
	p2 =	slt.s32 s11, s8  }
0xd: {  	s13 =	smov.u32 @p2 s11;
	p2 =	sne.s32 s9, $0x12  }
.Ltmp1:
0xe: {  	_ = 	snop;
	(pc) =	sbr.rel @!p2 .LBB2_8-.Ltmp1, $4  }
0xf: {  	s12 =	simm.s32 @!p1 $0x3  }
0x10: {  	_ =	swait.ge @!p1 [sflag:s12], $0xC000  }
0x11: {  	p0 =	por !p0, !p0;
	[sflag:s12] =	ssyncset.done @!p1 $0x0  }
0x12: {  	s11 =	smov.u32 s10;
	s10 =	smov.u32 s13;
	[sflag:s12] =	ssyncadd.s32 @!p1 $0xFFFF4000  }
.LBB2_1:
0x13: {  	p1 =	sgt.u32 s9, $0xF  }
0x14: {  	s12 =	sxor.u32 @!p1 $0xFFFFFFFF, s9  }
0x15: {  	s12 =	sand.u32 @!p1 $0x1, s12  }
0x16: {  	s12 =	smul.u32 @!p1 $0x600, s12  }
0x17: {  	s31 =	sadd.s32 $0xFFFFFFFF, s9;
	s13 =	sshrl.u32 @!p1 s10, $0x3  }
0x18: {  	s14 =	sand.u32 @!p1 $0x7, s10;
	s13 =	sadd.s32 @!p1 s6, s13;
	s12 =	sshrl.u32 @!p1 s12, $0x2  }
0x19: {  	[tilespmem:s12], [sflag:$0x2] =	stream.linear.gather @!p1 [hbm4b:s13+s14], $0x180, $0x38;
	[tilespmem:$0x18300] =	vst v63  }
0x1a: {  	p1 =	sgt.u32 s31, $0xF  }
.Ltmp2:
0x1b: {  	_ = 	snop;
	(pc) =	sbr.rel @p1 .LBB2_7-.Ltmp2, $1  }
0x1c: {  	_ =	sdelay $0x3  }
0x1d: {  	s12 =	simm.s32 $0x1  }
0x1e: {  	s12 =	simm.s32 @!p0 $0x0  }
0x1f: {  	s13 =	smul.u32 $0x600, s12  }
0x20: {  	_ =	swait.ge [sflag:s5], $0x180  }
0x21: {  	[sflag:s5] =	ssyncset.done $0x0;
	s14 =	sshrl.u32 s13, $0x2  }
0x22: {  	[sflag:s5] =	ssyncadd.s32 $0xFFFFFE80;
	s13 =	sadd.s32 $0x0, s14  }
0x23: {  	v0 =	vld.msk [tilespmem:s13+$0x0 ss:$0x1], $0xffff;
	_ =	sdelay $0x4  }
0x24: {  	vm2 =	vgt.s32 v0, $0x0  }
0x25: {  	v0 =	vnsel vm2, $0x0, v0  }
0x26: {  	v0 =	vmin.u32 v0, $0x3FFFF  }
0x27: {  	v0 =	vshll.u32 v0, $0x4  }
0x28: {  	s12 =	smul.u32 $0x30000, s12;
	_ =	sdelay $0x1  }
0x29: {  	s12 =	sshrl.u32 s12, $0x2  }
0x2a: {  	s12 =	sor.u32 $0x300, s12  }
0x2b: {  	[tilespmem:s12], [sflag:$0x1] =	stream.indirect_vreg.gather [hbm:s2], $0x80, v0, vm0, $0x38;
	[tilespmem:$0x18300] =	vst v63  }
0x2c: {  	s15 =	sadd.s32 $0x10, s14;
	s13 =	sadd.s32 $0x400, s12  }
0x2d: {  	[tilespmem:s13], [sflag:$0x1] =	stream.indirect_vreg.gather [hbm:s2], $0x80, v0, vm1, $0x38;
	[tilespmem:$0x18300] =	vst v63  }
0x2e: {  	s16 =	simm.s32 $0x80;
	v0 =	vld.msk [tilespmem:s15+$0x0 ss:$0x1], $0xffff;
	s15 =	smov.u32 s12  }
.LBB2_3:
0x2f: {  	p1 =	sne.s32 s16, $0x5C0;
	_ =	sdelay $0x4  }
0x30: {  	vm2 =	vgt.s32 v0, $0x0  }
0x31: {  	v0 =	vnsel vm2, $0x0, v0  }
0x32: {  	v0 =	vmin.u32 v0, $0x3FFFF  }
0x33: {  	v0 =	vshll.u32 v0, $0x4;
	_ =	sdelay $0x3  }
.Ltmp3:
0x34: {  	s17 =	sshra.s32 s16, $0x2;
	s15 =	sadd.s32 $0x800, s15;
	(pc) =	sbr.rel @p1 .LBB2_3-.Ltmp3, $4  }
0x35: {  	[tilespmem:s15], [sflag:$0x1] =	stream.indirect_vreg.gather [hbm:s2], $0x80, v0, vm0, $0x38;
	[tilespmem:$0x18300] =	vst v63  }
0x36: {  	s17 =	sadd.s32 s17, s14;
	s18 =	sadd.s32 $0x400, s15  }
0x37: {  	[tilespmem:s18], [sflag:$0x1] =	stream.indirect_vreg.gather [hbm:s2], $0x80, v0, vm1, $0x38;
	[tilespmem:$0x18300] =	vst v63  }
0x38: {  	s16 =	sadd.s32 $0x40, s16;
	v0 =	vld.msk [tilespmem:s17+$0x0 ss:$0x1], $0xffff  }
0x39: {  	_ =	sdelay $0x3  }
0x3a: {  	vm2 =	vgt.s32 v0, $0x0  }
0x3b: {  	v0 =	vnsel vm2, $0x0, v0  }
0x3c: {  	v0 =	vmin.u32 v0, $0x3FFFF  }
0x3d: {  	v0 =	vshll.u32 v0, $0x4;
	_ =	sdelay $0x3  }
0x3e: {  	s14 =	sadd.s32 $0x800, s15  }
0x3f: {  	[tilespmem:s14], [sflag:$0x1] =	stream.indirect_vreg.gather [hbm:s2], $0x80, v0, vm0, $0x38;
	[tilespmem:$0x18300] =	vst v63  }
0x40: {  	s14 =	sadd.s32 $0x400, s14  }
0x41: {  	[tilespmem:s14], [sflag:$0x1] =	stream.indirect_vreg.gather [hbm:s2], $0x80, v0, vm1, $0x38;
	[tilespmem:$0x18300] =	vst v63  }
0x42: {  	s11 =	sshll.u32 s11, $0x4;
	_ =	swait.ge [sflag:s3], $0xC000  }
0x43: {  	s11 =	sadd.s32 s11, s7;
	[sflag:s3] =	ssyncset.done $0x0  }
0x44: {  	s15 =	sadd.s32 $0x0, s11;
	s14 =	simm.s32 $0x80;
	[sflag:s3] =	ssyncadd.s32 $0xFFFF4000  }
.LBB2_5:
0x45: {  	[hbm:s15] =	stream.linear.scatter [tilespmem:s12], [sflag:$0x3], $0x400, $0x38;
	[tilespmem:$0x18300] =	vst v63  }
0x46: {  	s15 =	smov.u32 s14;
	s12 =	smov.u32 s13;
	p1 =	sne.s32 s14, $0x1780  }
.Ltmp4:
0x47: {  	s14 =	sadd.s32 $0x80, s14;
	(pc) =	sbr.rel @p1 .LBB2_5-.Ltmp4, $2  }
0x48: {  	_ =	sdelay $0x2  }
0x49: {  	s13 =	sadd.s32 $0x400, s13;
	s15 =	sadd.s32 s15, s11  }
.Ltmp5:
0x4a: {  	_ = 	snop;
	(pc) =	sbr.rel .LBB2_6-.Ltmp5, $1  }
0x4b: {  	_ =	sdelay $0x3  }
.LBB2_8:
0x4c: {  	_ =	sfence.sel $0x180000  }
0x4d: {  	s2 =	simm.s32 $0x2;
	[bflag:$0x0] =	sbarrier.arrive $0xFFFF  }
0x4e: {  	s30 =	simm.s32 $0x3;
	[sflag:s2] =	ssyncpa.u1 $0x1  }
0x4f: {  	s31 =	simm.s32 $0x1;
	[sflag:s30] =	ssyncpa.u1 $0x1  }
0x50: {  	[sflag:s31] =	ssyncpa.u1 $0x1  }
0x51: {  	p0 =	sne.s32 s1, $0x0;
	_ =	strace $0x9000004D  }
0x52: {  	s0 =	sadd.s32 @!p0 $0x100000, s0;
	[bflag:$0x2] =	sbarrier.arrive $0xFFFF  }
0x53: {  	[sflag:s0] =	ssyncadd.tile.s32 @!p0 $0x1;
	_ =	shalt  }
.Lfunc_end2:
_tile_overlayer_lowered:
.L_overlay_start_2:
0x54: {  	(tag) =	ssettag $0x2  }
0x55: {  	s0 =	rddreg [dreg:$0x0];
	s2 =	stileid.u32  }
0x56: {  	s1 =	rddreg [dreg:$0x1];
	p0 =	sne.s32 s2, $0x0  }
0x57: {  	s3 =	rddreg [dreg:$0x2];
	[bflag:$0x3] =	sbarrier.arrive $0xFFFF;
	s2 =	simm.s32 @!p0 $0x1C01  }
0x58: {  	[timem:s3], [sflag:s2] =	dma.local @!p0 [hbm:s0], s1  }
0x59: {  	s0 =	simm.s32 @!p0 $0x1  }
0x5a: {  	_ =	swait.ge @!p0 [sflag:s0], s1  }
0x5b: {  	s1 =	ssub.s32 @!p0 $0x0, s1;
	[sflag:s0] =	ssyncset.done @!p0 $0x0  }
0x5c: {  	[sflag:s0] =	ssyncadd.s32 @!p0 s1  }
0x5d: {  	[bflag:$0x3] =	sbarrier.arrive $0xFFFF  }
0x5e: {  	_ =	shalt  }

// kernel: gather_offload_async_start
scs
__scs_entry_jumppad:
0x0: {  	(pc) =	sbr.rel $0x88, $3  }
0x1: {  	(tag) =	ssettag $0x0;
	lr =	simm.s32 $0x1  }
0x2: {  	[smem:$0x3F8B] =	sst lr;
	_ =	strace $0xD0000000  }
0x3: {  	_ = 	snop  }
0x4: {  	_ = 	snop  }
0x5: {  	_ = 	snop  }
0x6: {  	_ = 	snop  }
0x7: {  	_ = 	snop  }
__scs_overlays_trampoline_lowered:
0x8: {  	[smem:$0x3F9A] =	sst s0  }
0x9: {  	[smem:$0x3F9B] =	sst s1  }
0xa: {  	[smem:$0x3F9C] =	sst s2  }
0xb: {  	[smem:$0x3F9D] =	sst s3  }
0xc: {  	[smem:$0x3F9E] =	sst s4  }
0xd: {  	[smem:$0x3F9F] =	sst s5  }
0xe: {  	[smem:$0x3FA0] =	sst s6  }
0xf: {  	[smem:$0x3FA1] =	sst s7  }
0x10: {  	[smem:$0x3FA2] =	sst s8  }
0x11: {  	[smem:$0x3FA3] =	sst s9;
	s0 =	simm.s32 @!p0 $0x0  }
0x12: {  	s1 =	sld [smem:$0x3F89];
	s0 =	simm.s32 @p0 $0x1  }
0x13: {  	[smem:$0x3FA4] =	sst s0;
	s0 =	simm.s32 @!p1 $0x0  }
0x14: {  	s2 =	sld [smem:$0x3F88];
	s0 =	simm.s32 @p1 $0x1  }
0x15: {  	[smem:$0x3FA5] =	sst s0;
	s0 =	simm.s32 @!p2 $0x0  }
0x16: {  	s3 =	sld [smem:$0x3FDB];
	s0 =	simm.s32 @p2 $0x1  }
0x17: {  	s4 =	simm.s32 $0x1BF5;
	[smem:$0x3FA7] =	sst s0  }
0x18: {  	s0 =	sld [smem:$0x3F8A];
	_ =	swait.ge [sflag:s4], $0x0  }
0x19: {  	s7 =	sld [smem:$0x3F8B]  }
0x1a: {  	s8 =	sadd.s32 $0xFFFFE003, lr  }
0x1b: {  	s9 =	sadd.s32 $0xFFFFFEF7, lr;
	s5 =	simm.s32 $0xFFFFFFFF;
	p2 =	slt.u32 s8, $0xFFFFF086  }
0x1c: {  	p1 =	slt.u32 s9, $0xF7A;
	s5 =	simm.s32 @!p2 $0x0  }
0x1d: {  	s5 =	simm.s32 @p1 $0x1;
	p0 =	seq.s32 s7, s2  }
0x1e: {  	s7 =	smul.u32 @!p0 $0xF7A, s2;
	p2 =	seq.s32 @!p0 s5, $0x0  }
0x1f: {  	s9 =	smul.u32 $0xF7A, s1;
	s8 =	simm.s32 @!p0 $0x1BF5;
	p2 =	por !p2, p0  }
0x20: {  	[sflag:s8] =	ssyncset.s32 @!p0 $0xFFFFF086;
	s6 =	sadd.s32 @!p0 s3, s7;
	s7 =	simm.s32 @!p0 $0x108  }
0x21: {  	s3 =	sadd.s32 s3, s9;
	s6 =	sadd.s32 @!p0 $0x88, s6;
	s7 =	simm.s32 @p2 $0x1082  }
0x22: {  	[simem:s7], [sflag:s8] =	dma.local @!p0 [hbm:s6], $0xF7A  }
0x23: {  	s9 =	sor.u32 $0xD0000000, s2;
	s6 =	simm.s32 $0x108;
	_ =	swait.ge @!p0 [sflag:s8], $0x0  }
0x24: {  	s3 =	sadd.s32 $0x88, s3;
	s6 =	simm.s32 @!p1 $0x1082;
	[sflag:s4] =	ssyncset.s32 $0xFFFFF086  }
0x25: {  	[simem:s6], [sflag:s4] =	dma.local [hbm:s3], $0xF7A  }
0x26: {  	[smem:$0x3F8B] =	sst s1;
	(tag) =	ssettag s2;
	_ =	strace s9  }
0x27: {  	s1 =	sld [smem:$0x3F9B]  }
0x28: {  	s2 =	sld [smem:$0x3F9C]  }
0x29: {  	s4 =	sld [smem:$0x3F9E]  }
0x2a: {  	p0 =	seq.s32 s5, $0x0;
	s5 =	sld [smem:$0x3F9F]  }
0x2b: {  	s6 =	sld [smem:$0x3FA0]  }
0x2c: {  	s7 =	sld [smem:$0x3FA1]  }
0x2d: {  	s3 =	simm.s32 $0x108;
	s8 =	sld [smem:$0x3FA2]  }
0x2e: {  	s3 =	simm.s32 @!p0 $0x1082;
	s9 =	sld [smem:$0x3FA3]  }
0x2f: {  	lr =	sadd.s32 s0, s3;
	s0 =	sld [smem:$0x3F9A]  }
0x30: {  	s3 =	sld [smem:$0x3F9D]  }
0x31: {  	[smem:$0x3FA6] =	sst s10  }
0x32: {  	s10 =	sld [smem:$0x3FA4];
	_ =	sdelay $0x3  }
0x33: {  	p0 =	seq.s32 s10, $0x1;
	s10 =	sld [smem:$0x3FA6];
	_ =	sdelay $0x3  }
0x34: {  	[smem:$0x3FA6] =	sst s10  }
0x35: {  	s10 =	sld [smem:$0x3FA5];
	_ =	sdelay $0x3  }
0x36: {  	p1 =	seq.s32 s10, $0x1;
	s10 =	sld [smem:$0x3FA6];
	_ =	sdelay $0x3  }
0x37: {  	[smem:$0x3FA6] =	sst s10  }
0x38: {  	s10 =	sld [smem:$0x3FA7]  }
0x39: {  	_ = 	snop;
	(pc) =	sbr.ind lr, $3  }
0x3a: {  	_ = 	snop  }
0x3b: {  	_ = 	snop  }
0x3c: {  	p2 =	seq.s32 s10, $0x1;
	s10 =	sld [smem:$0x3FA6]  }
0x3d: {  	_ =	shalt  }
0x3e: {  	_ =	shalt  }
0x3f: {  	_ =	shalt  }
0x40: {  	_ =	shalt  }
0x41: {  	_ =	shalt  }
0x42: {  	_ =	shalt  }
0x43: {  	_ =	shalt  }
0x44: {  	_ =	shalt  }
0x45: {  	_ =	shalt  }
0x46: {  	_ =	shalt  }
0x47: {  	_ =	shalt  }
0x48: {  	_ =	shalt  }
0x49: {  	_ =	shalt  }
0x4a: {  	_ =	shalt  }
0x4b: {  	_ =	shalt  }
0x4c: {  	_ =	shalt  }
0x4d: {  	_ =	shalt  }
0x4e: {  	_ =	shalt  }
0x4f: {  	_ =	shalt  }
0x50: {  	_ =	shalt  }
0x51: {  	_ =	shalt  }
0x52: {  	_ =	shalt  }
0x53: {  	_ =	shalt  }
0x54: {  	_ =	shalt  }
0x55: {  	_ =	shalt  }
0x56: {  	_ =	shalt  }
0x57: {  	_ =	shalt  }
0x58: {  	_ =	shalt  }
0x59: {  	_ =	shalt  }
0x5a: {  	_ =	shalt  }
0x5b: {  	_ =	shalt  }
0x5c: {  	_ =	shalt  }
0x5d: {  	_ =	shalt  }
0x5e: {  	_ =	shalt  }
0x5f: {  	_ =	shalt  }
0x60: {  	_ =	shalt  }
0x61: {  	_ =	shalt  }
0x62: {  	_ =	shalt  }
0x63: {  	_ =	shalt  }
0x64: {  	_ =	shalt  }
0x65: {  	_ =	shalt  }
0x66: {  	_ =	shalt  }
0x67: {  	_ =	shalt  }
0x68: {  	_ =	shalt  }
0x69: {  	_ =	shalt  }
0x6a: {  	_ =	shalt  }
0x6b: {  	_ =	shalt  }
0x6c: {  	_ =	shalt  }
0x6d: {  	_ =	shalt  }
0x6e: {  	_ =	shalt  }
0x6f: {  	_ =	shalt  }
0x70: {  	_ =	shalt  }
0x71: {  	_ =	shalt  }
0x72: {  	_ =	shalt  }
0x73: {  	_ =	shalt  }
0x74: {  	_ =	shalt  }
0x75: {  	_ =	shalt  }
0x76: {  	_ =	shalt  }
0x77: {  	_ =	shalt  }
0x78: {  	_ =	shalt  }
0x79: {  	_ =	shalt  }
0x7a: {  	_ =	shalt  }
0x7b: {  	_ =	shalt  }
0x7c: {  	_ =	shalt  }
0x7d: {  	_ =	shalt  }
0x7e: {  	_ =	shalt  }
0x7f: {  	_ =	shalt  }
0x80: {  	_ =	shalt  }
0x81: {  	_ =	shalt  }
0x82: {  	_ =	shalt  }
0x83: {  	_ =	shalt  }
0x84: {  	_ =	shalt  }
0x85: {  	_ =	shalt  }
0x86: {  	_ =	shalt  }
0x87: {  	_ =	shalt  }
.Lfunc_end0:
.L_simem_size_0:
called_computation.2_lowered:
.L_overlay_start_0:
0x88: {  	s2 =	sld [smem:$0x3FD9]  }
0x89: {  	s3 =	sld [smem:$0x3FFE];
	_ =	sdelay $0x1  }
0x8a: {  	s1 =	srdreg.scid  }
0x8b: {  	s0 =	sand.u32 $0x1, s1  }
0x8c: {  	s16 =	sshll.u32 s0, $0xA;
	s2 =	sadd.s32 s3, s2  }
0x8d: {  	s2 =	sadd.s32 s2, s16  }
0x8e: {  	[smem:$0x3FB2] =	sst s2  }
0x8f: {  	_ = 	snop  }
0x90: {  	(tm) =	ssettm $0x1  }
0x91: {  	s17 =	sld [smem:$0x3FFB];
	_ =	sdelay $0x3  }
0x92: {  	_ =	strace s17  }
0x93: {  	s2 =	sld [smem:$0x3FFC];
	_ =	sdelay $0x3  }
0x94: {  	_ =	strace s2  }
0x95: {  	s2 =	sld [smem:$0x3FFD];
	_ =	sdelay $0x3  }
0x96: {  	_ =	strace s2  }
0x97: {  	_ =	strace $0x8FFFFFFF  }
0x98: {  	s18 =	sld [smem:$0x3FDB];
	_ =	sdelay $0x1  }
0x99: {  	s19 =	simm.s32 $_scs_section_size  }
0x9a: {  	s4 =	simm.s32 $_size__tile_overlayer_lowered;
	s5 =	simm.s32 $_tile_overlayer_lowered  }
0x9b: {  	s22 =	simm.s32 $0x1BFF;
	s21 =	sshll.u32 s5, $0x1;
	s2 =	sadd.s32 s19, s18  }
0x9c: {  	s6 =	simm.s32 $0x0;
	s20 =	sshll.u32 s4, $0x1;
	s4 =	sadd.s32 s21, s2  }
0x9d: {  	[timem:s6], [sflag:s22] =	dma.local [hbm:s4], s20  }
0x9e: {  	_ =	swait.ge [sflag:s22], s20  }
0x9f: {  	s3 =	ssub.s32 $0x0, s20;
	[sflag:s22] =	ssyncset.done $0x0  }
0xa0: {  	[sflag:s22] =	ssyncadd.s32 s3;
	_ =	sdelay $0x1  }
0xa1: {  	s23 =	simm.s32 $0x1B8B  }
0xa2: {  	_ =	swait.ge [sflag:s23], $0x1  }
0xa3: {  	[sflag:s23] =	ssyncset.done $0x0  }
0xa4: {  	s25 =	simm.s32 $0x1B8E;
	s24 =	sld [smem:$0x3FFE];
	[sflag:s23] =	ssyncadd.s32 $0xFFFFFFFF  }
0xa5: {  	s26 =	simm.s32 $execute0_lowered;
	[smem:$0x3FD2] =	sst s25  }
0xa6: {  	s4 =	sshll.u32 s26, $0x1;
	_ =	strace $0x80000046;
	[dreg:$0x1] =	wrdreg $0xFFFFFFFF  }
0xa7: {  	s28 =	simm.s32 $_size_execute0_lowered;
	s2 =	sadd.s32 s2, s4;
	[dreg:$0x0] =	wrdreg $0x0  }
0xa8: {  	s4 =	sshll.u32 s28, $0x1;
	[dreg:$0x2] =	wrdreg s2  }
0xa9: {  	[dreg:$0x3] =	wrdreg s4  }
0xaa: {  	[dreg:$0x4] =	wrdreg $0xC0  }
0xab: {  	_ =	task [dreg:s6], $0x5FFFF  }
0xac: {  	[dreg:$0x1] =	wrdreg $0xFFFFFFFF  }
0xad: {  	[dreg:$0x0] =	wrdreg $0x60  }
0xae: {  	[dreg:$0x2] =	wrdreg s24  }
0xaf: {  	[dreg:$0x3] =	wrdreg $0x9  }
0xb0: {  	_ =	task.clear_ibuf [dreg:s6], $0x4FFFF;
	_ =	strace $0x90000046  }
0xb1: {  	s29 =	simm.s32 $0x9;
	_ =	strace $0x80000048  }
0xb2: {  	_ =	swait.ge [sflag:s29], $0x1  }
0xb3: {  	[sflag:s29] =	ssyncadd.s32 $0xFFFFFFFF  }
0xb4: {  	_ =	strace $0x90000048  }
0xb5: {  	_ =	sfence  }
0xb6: {  	s30 =	sld [smem:$0x0];
	_ =	sdelay $0x2  }
0xb7: {  	s31 =	sshll.u32 s1, $0xD;
	s1 =	sshrl.u32 s1, $0x2  }
0xb8: {  	s3 =	sand.u32 $0x4000, s31;
	s1 =	sadd.s32 s1, s30  }
0xb9: {  	s0 =	sor.u32 s3, s0;
	s1 =	sshll.u32 s1, $0x11  }
0xba: {  	s0 =	sor.u32 s1, s0  }
0xbb: {  	s0 =	sadd.s32 $0x8F2B, s0  }
0xbc: {  	[sflag:s0] =	ssyncadd.remote.s32 $0x1  }
0xbd: {  	_ =	sfence.sel $0xFFFF  }
0xbe: {  	[dreg:$0x0] =	wrdreg $0xFFFFFFFF;
	(pc) =	sbr.abs _section_cstart, $3  }
0xbf: {  	[dreg:$0x1] =	wrdreg $0xFFFFFFFF  }
0xc0: {  	_ =	task.clear_ibuf [dreg:s6], $0x2FFFF;
	_ =	strace $0x9FFFFFFF  }
0xc1: {  	(tm) =	ssettm $0x7FFFFFFF  }
tec
execute0_lowered:
.L_overlay_start_1:
0x0: {  	(tag) =	ssettag $0x1  }
0x1: {  	s2 =	rddreg [dreg:$0x0]  }
0x2: {  	s0 =	rddreg [dreg:$0x1];
	_ =	strace $0x80000047  }
0x3: {  	s1 =	srdreg.scid;
	s5 =	simm.s32 $0x1;
	s10 =	simm.s32 $0x3  }
0x4: {  	p3 =	por $0x0, $0x0;
	s11 =	simm.s32 $0x80;
	s6 =	sshll.u32 s1, $0x4  }
.Ltmp0:
0x5: {  	s1 =	stileid.u32;
	s6 =	sand.u32 $0x10, s6;
	(pc) =	sbr.rel .LBB2_1-.Ltmp0, $4  }
0x6: {  	s3 =	sadd.s32 $0x1F000, s2;
	s4 =	sadd.s32 $0x64F000, s2;
	s7 =	sor.u32 s1, s6  }
0x7: {  	[sflag:s5] =	ssyncpa.u1 $0x0;
	s6 =	simm.s32 $0x2;
	s7 =	sshll.u32 s7, $0xE  }
0x8: {  	s8 =	sadd.s32 $0x21F000, s2;
	[sflag:s6] =	ssyncpa.u1 $0x0;
	s9 =	sadd.s32 $0x4000, s7  }
0x9: {  	v0 =	vlaneseq.u32;
	[sflag:s10] =	ssyncpa.u1 $0x0;
	s10 =	simm.s32 $0x0;
	s12 =	smov.u32 s7  }
.LBB2_7:
0xa: {  	p0 =	slt.u32 s10, $0x2;
	s10 =	sadd.s32 $0x1, s10  }
0xb: {  	p2 =	sne.s32 s10, $0x42  }
.Ltmp1:
0xc: {  	_ = 	snop;
	(pc) =	sbr.rel @!p2 .LBB2_8-.Ltmp1, $4  }
0xd: {  	s13 =	simm.s32 @!p0 $0x3  }
0xe: {  	s14 =	sadd.s32 $0x100, s12;
	_ =	swait.ge @!p0 [sflag:s13], $0x8000  }
0xf: {  	s12 =	smov.u32 s7;
	p1 =	slt.s32 s14, s9;
	[sflag:s13] =	ssyncset.done @!p0 $0x0  }
0x10: {  	p3 =	por !p3, !p3;
	s12 =	smov.u32 @p1 s14;
	[sflag:s13] =	ssyncadd.s32 @!p0 $0xFFFF8000  }
.LBB2_1:
0x11: {  	p0 =	sgt.u32 s10, $0x3F  }
0x12: {  	s13 =	sxor.u32 @!p0 $0xFFFFFFFF, s10  }
0x13: {  	s14 =	sshrl.u32 @!p0 s12, $0x3;
	s13 =	sshll.u32 @!p0 s13, $0x8  }
0x14: {  	s16 =	sand.u32 @!p0 $0x7, s12;
	s15 =	sadd.s32 @!p0 s2, s14;
	s13 =	sand.u32 @!p0 $0x100, s13  }
0x15: {  	[tilespmem:s13], [sflag:$0x2] =	stream.linear.gather @!p0 [hbm4b:s15+s16], $0x100, $0x38;
	[tilespmem:$0x10400] =	vst v63  }
0x16: {  	s14 =	sadd.s32 @!p0 s8, s14;
	s13 =	sor.u32 @!p0 $0x200, s13  }
0x17: {  	[tilespmem:s13], [sflag:$0x2] =	stream.linear.gather @!p0 [hbm4b:s14+s16], $0x100, $0x38;
	[tilespmem:$0x10400] =	vst v63  }
0x18: {  	p0 =	seq.s32 s10, $0x0  }
0x19: {  	p1 =	seq.s32 @!p0 s10, $0x41  }
0x1a: {  	p0 =	por p0, p1  }
.Ltmp2:
0x1b: {  	_ = 	snop;
	(pc) =	sbr.rel @p0 .LBB2_7-.Ltmp2, $1  }
0x1c: {  	_ =	sdelay $0x3  }
0x1d: {  	p0 =	por $0x0, $0x0  }
0x1e: {  	s13 =	simm.s32 $0x1;
	p0 =	por p0, p0  }
0x1f: {  	s13 =	simm.s32 @!p0 $0x2  }
0x20: {  	v1 =	vmov s13  }
0x21: {  	s14 =	simm.s32 @!p3 $0x0;
	vm0 =	vgt.u32 v1, v0  }
0x22: {  	s14 =	simm.s32 @p3 $0x1  }
0x23: {  	[smem:$0x7FB] =	sst s14;
	s13 =	simm.s32 $0x1  }
0x24: {  	_ =	swait.ge [sflag:s6], $0x200;
	s13 =	simm.s32 @!p3 $0x0  }
0x25: {  	[sflag:s6] =	ssyncset.done $0x0;
	s13 =	sshll.u32 s13, $0x8  }
0x26: {  	[sflag:s6] =	ssyncadd.s32 $0xFFFFFE00;
	s25 =	sadd.s32 $0x0, s13  }
0x27: {  	p1 =	por $0x0, $0x0;
	v1 =	vld.msk [tilespmem:s25+$0x0 ss:$0x1], vm0  }
0x28: {  	p1 =	por p1, p1;
	s14 =	simm.s32 $0x1  }
0x29: {  	s14 =	simm.s32 @!p1 $0x2  }
0x2a: {  	v2 =	vmov s14  }
0x2b: {  	vm0 =	vgt.u32 v2, v0  }
0x2c: {  	(v2sf) =	vpush v1, $0x1  }
0x2d: {  	(v2sf) =	vpush v1, $0x0  }
0x2e: {  	p2 =	por $0x0, $0x0  }
0x2f: {  	p2 =	por p2, p2;
	s14 =	simm.s32 $0x1  }
0x30: {  	s14 =	simm.s32 @!p2 $0x2;
	s26 =	sadd.s32 $0x1, s13  }
0x31: {  	v2 =	vmov s14;
	v3 =	vld.msk [tilespmem:s26+$0x0 ss:$0x1], vm0  }
0x32: {  	vm1 =	vgt.u32 v2, v0;
	_ =	sdelay $0x3  }
0x33: {  	(v2sf) =	vpush v3, $0x1  }
0x34: {  	s28 =	sadd.s32 $0x2, s13;
	(v2sf) =	vpush v3, $0x0  }
0x35: {  	v4 =	vld.msk [tilespmem:s28+$0x0 ss:$0x1], vm1  }
0x36: {  	p0 =	por p0, p0  }
0x37: {  	p0 =	por p0, p0  }
0x38: {  	p0 =	por p0, p0;
	s14 =	spop (v2sf)  }
0x39: {  	s29 =	sand.u32 $0x1, s10;
	s14 =	simm.s32 @p0 $0xFFFFFFFF;
	s15 =	spop (v2sf)  }
0x3a: {  	p5 =	por $0x0, $0x0;
	s16 =	simm.s32 $0x1;
	(v2sf) =	vpush v4, $0x1;
	p0 =	seq.s32 s15, s14  }
0x3b: {  	s17 =	simm.s32 $0x0;
	p6 =	por $0x0, $0x0;
	p1 =	por p1, p1;
	vm0 =	vgt.s32 @!p0 v1, $0x0  }
0x3c: {  	s24 =	simm.s32 $0x1;
	p3 =	por p5, p5;
	p4 =	por p1, p1;
	(v2sf) =	vpush v4, $0x0;
	v1 =	vnsel @!p0 vm0, $0x0, v1  }
0x3d: {  	p1 =	por p6, p6;
	s16 =	simm.s32 @!p3 $0x2;
	p2 =	por p2, p2;
	v1 =	vmin.u32 @!p0 v1, $0x1FFFF  }
0x3e: {  	p6 =	por p4, p4;
	p5 =	por p3, p3;
	p2 =	por p2, p2;
	(v2sf) =	vpush @!p0 v1, $0x0  }
0x3f: {  	s19 =	sadd.s32 $0x3, s13;
	s30 =	sadd.s32 $0x4, s13;
	p2 =	por p2, p2;
	v1 =	vmov s16  }
0x40: {  	s15 =	sor.u32 $0x200, s13;
	s14 =	sshll.u32 s29, $0xF;
	s16 =	simm.s32 $0x1;
	vm0 =	vgt.u32 v1, v0  }
0x41: {  	s14 =	sor.u32 $0x400, s14;
	s18 =	simm.s32 @!p0 $0x1;
	s16 =	simm.s32 @!p1 $0x2  }
0x42: {  	p4 =	por p0, p0;
	s18 =	smov.u32 @p0 s17;
	s20 =	spop (v2sf);
	v1 =	vmov s16  }
0x43: {  	s17 =	simm.s32 $0x18;
	s20 =	simm.s32 @p6 $0xFFFFFFFF;
	s21 =	spop (v2sf);
	vm1 =	vgt.u32 v1, v0  }
0x44: {  	p6 =	por p5, p5;
	p1 =	por p1, p1;
	p3 =	seq.s32 s21, s20  }
0x45: {  	p5 =	por $0x0, $0x0;
	s16 =	sadd.s32 @!p0 $0x0, s14;
	s23 =	sadd.s32 @!p3 $0x1, s18  }
0x46: {  	s23 =	smov.u32 @p3 s18;
	v2 =	vld.msk [tilespmem:s19+$0x0 ss:$0x1], vm0;
	s19 =	sshll.u32 @!p3 s18, $0x9;
	s18 =	simm.s32 @!p1 $0x0  }
0x47: {  	p5 =	por p5, p5;
	s21 =	simm.s32 $0x1C;
	s18 =	simm.s32 @p1 $0x1  }
0x48: {  	s24 =	simm.s32 @!p5 $0x2;
	s19 =	sshra.s32 @!p3 s19, $0x2;
	[smem:$0x7FC] =	sst s18  }
0x49: {  	p1 =	por $0x0, $0x0;
	s22 =	spop (v2sf);
	s18 =	simm.s32 @!p5 $0x0;
	v1 =	vld.msk [tilespmem:s30+$0x0 ss:$0x1], vm1  }
0x4a: {  	vm0 =	vgt.s32 @!p3 v3, $0x0;
	s22 =	simm.s32 @p2 $0xFFFFFFFF;
	s18 =	simm.s32 @p5 $0x1;
	p5 =	por p4, p4  }
0x4b: {  	v3 =	vnsel @!p3 vm0, $0x0, v3;
	s31 =	spop (v2sf);
	p2 =	por p6, p6;
	[smem:$0x7FD] =	sst s18;
	(v2sf) =	vpush v2, $0x1  }
0x4c: {  	v3 =	vmin.u32 @!p3 v3, $0x1FFFF;
	s18 =	sadd.s32 @!p3 s19, s14;
	p4 =	seq.s32 s31, s22;
	s22 =	simm.s32 @!p5 $0x80;
	(v2sf) =	vpush v2, $0x0  }
0x4d: {  	vm0 =	vgt.s32 @!p4 v4, $0x0;
	s19 =	sshll.u32 @!p4 s23, $0x9;
	s20 =	sadd.s32 @!p4 $0x1, s23;
	(v2sf) =	vpush @!p3 v3, $0x0;
	v3 =	vmov s24;
	s25 =	spop @!p0 (v2sf)  }
0x4e: {  	v4 =	vnsel @!p4 vm0, $0x0, v4;
	s19 =	sshra.s32 @!p4 s19, $0x2;
	s20 =	smov.u32 @p4 s23;
	(v2sf) =	vpush v1, $0x1;
	vm0 =	vgt.u32 v3, v0;
	s25 =	sshll.u32 @!p5 s25, $0x4  }
0x4f: {  	s24 =	sadd.s32 $0x5, s13;
	v3 =	vmin.u32 @!p4 v4, $0x1FFFF;
	p0 =	por p3, p3;
	(v2sf) =	vpush v1, $0x0;
	s23 =	sadd.s32 @!p5 s3, s25  }
.LBB2_3:
0x50: {  	_ =	sdelay $0x1  }
0x51: {  	s26 =	sld [smem:$0x7FC]  }
0x52: {  	s25 =	simm.s32 @!p3 $0x0;
	s28 =	sld [smem:$0x7FD]  }
0x53: {  	v4 =	vld.msk [tilespmem:s24+$0x0 ss:$0x1], vm0;
	[tilespmem:s16], [sflag:$0x1] =	stream.strided.gather @!p5 [hbm:s23], $0x80, s22, s22, $0x38;
	[tilespmem:$0x10400] =	vst v63  }
0x54: {  	s31 =	smov.u32 s17;
	s17 =	smov.u32 s21;
	s25 =	simm.s32 @p3 $0x1  }
0x55: {  	(v2sf) =	vpush @!p4 v3, $0x0;
	p3 =	por p4, p4;
	p5 =	seq.s32 s26, $0x1;
	p4 =	seq.s32 s28, $0x1  }
0x56: {  	s16 =	smov.u32 s18;
	p6 =	por p5, p5;
	p5 =	por p4, p4  }
0x57: {  	s21 =	sadd.s32 $0x4, s21;
	[smem:$0x7F9] =	sst s25;
	s18 =	simm.s32 @!p5 $0x0  }
0x58: {  	s25 =	smov.u32 s20;
	p4 =	por p1, p1;
	s18 =	simm.s32 @p5 $0x1  }
0x59: {  	s20 =	simm.s32 @!p4 $0x0;
	[smem:$0x7FC] =	sst s18;
	s18 =	simm.s32 $0x1  }
0x5a: {  	s20 =	simm.s32 @p4 $0x1;
	s18 =	simm.s32 @!p4 $0x2;
	p4 =	sne.s32 s21, $0x400  }
0x5b: {  	[smem:$0x7FD] =	sst s20;
	s20 =	simm.s32 @!p4 $0x0  }
0x5c: {  	s30 =	sld [smem:$0x7F9];
	s20 =	simm.s32 @p4 $0x1  }
0x5d: {  	s23 =	sshra.s32 s31, $0x2;
	[smem:$0x7FA] =	sst s20  }
0x5e: {  	v3 =	vmov s18;
	s18 =	sadd.s32 @!p3 s19, s14;
	s19 =	spop (v2sf);
	s31 =	sld [smem:$0x7FA]  }
0x5f: {  	s19 =	simm.s32 @p2 $0xFFFFFFFF  }
0x60: {  	s29 =	spop (v2sf);
	p2 =	por p6, p6;
	p6 =	seq.s32 s30, $0x1  }
0x61: {  	s24 =	spop @!p6 (v2sf);
	p6 =	seq.s32 s31, $0x1  }
.Ltmp3:
0x62: {  	_ = 	snop;
	(pc) =	sbr.rel @p6 .LBB2_3-.Ltmp3, $4  }
0x63: {  	p1 =	seq.s32 s17, $0x3FC;
	p5 =	por p0, p0;
	p4 =	seq.s32 s29, s19  }
0x64: {  	p0 =	por p3, p3;
	s22 =	simm.s32 @!p5 $0x80;
	vm1 =	vgt.s32 @!p4 v2, $0x0;
	s19 =	sshll.u32 @!p4 s25, $0x9  }
0x65: {  	vm0 =	vgt.u32 v3, v0;
	(v2sf) =	vpush v4, $0x1;
	s20 =	sadd.s32 @!p4 $0x1, s25;
	s26 =	sshll.u32 @!p5 s24, $0x4;
	s24 =	sadd.s32 s23, s13;
	v3 =	vnsel @!p4 vm1, $0x0, v2  }
0x66: {  	(v2sf) =	vpush v4, $0x0;
	s19 =	sshra.s32 @!p4 s19, $0x2;
	v2 =	vmovc v1;
	v1 =	vmov v4;
	s20 =	smov.u32 @p4 s25;
	s23 =	sadd.s32 @!p5 s3, s26;
	v3 =	vmin.u32 @!p4 v3, $0x1FFFF  }
0x67: {  	_ = 	snop  }
0x68: {  	p6 =	por p1, p1;
	s21 =	simm.s32 $0x1  }
0x69: {  	s21 =	simm.s32 @!p6 $0x2  }
0x6a: {  	v4 =	vmov s21  }
0x6b: {  	vm1 =	vgt.u32 v4, v0  }
0x6c: {  	v4 =	vld.msk [tilespmem:s24+$0x0 ss:$0x1], vm0;
	_ =	sdelay $0x2  }
0x6d: {  	s17 =	sshra.s32 s17, $0x2;
	s21 =	spop (v2sf)  }
0x6e: {  	s17 =	sadd.s32 s17, s13;
	(v2sf) =	vpush @!p4 v3, $0x0;
	s21 =	simm.s32 @p2 $0xFFFFFFFF;
	s31 =	spop (v2sf)  }
0x6f: {  	p2 =	seq.s32 s31, s21;
	(v2sf) =	vpush v4, $0x1;
	v3 =	vld.msk [tilespmem:s17+$0x0 ss:$0x1], vm1  }
0x70: {  	vm0 =	vgt.s32 @!p2 v2, $0x0;
	(v2sf) =	vpush v4, $0x0  }
0x71: {  	v2 =	vnsel @!p2 vm0, $0x0, v2  }
0x72: {  	[tilespmem:s16], [sflag:$0x1] =	stream.strided.gather @!p5 [hbm:s23], $0x80, s22, s22, $0x38;
	v2 =	vmin.u32 @!p2 v2, $0x1FFFF;
	[tilespmem:$0x10400] =	vst v63  }
0x73: {  	s22 =	sld [smem:$0x7FC];
	(v2sf) =	vpush @!p2 v2, $0x0  }
0x74: {  	(v2sf) =	vpush v3, $0x1  }
0x75: {  	p0 =	por p0, p0;
	(v2sf) =	vpush v3, $0x0  }
0x76: {  	s17 =	spop @!p3 (v2sf);
	p3 =	seq.s32 s22, $0x1;
	s22 =	sld [smem:$0x7FD]  }
0x77: {  	p1 =	por p3, p3;
	s17 =	sshll.u32 @!p0 s17, $0x4  }
0x78: {  	p1 =	por p1, p1;
	s17 =	sadd.s32 @!p0 s3, s17  }
0x79: {  	p5 =	seq.s32 s22, $0x1;
	s22 =	simm.s32 @!p0 $0x80;
	s16 =	spop (v2sf)  }
0x7a: {  	[tilespmem:s18], [sflag:$0x1] =	stream.strided.gather @!p0 [hbm:s17], $0x80, s22, s22, $0x38;
	[tilespmem:$0x10400] =	vst v63  }
0x7b: {  	s23 =	spop (v2sf);
	s16 =	simm.s32 @p1 $0xFFFFFFFF  }
0x7c: {  	p3 =	por p5, p5;
	p1 =	seq.s32 s23, s16  }
0x7d: {  	p3 =	por p3, p3;
	vm0 =	vgt.s32 @!p1 v1, $0x0;
	s16 =	spop @!p4 (v2sf)  }
0x7e: {  	p0 =	por p3, p3;
	v1 =	vnsel @!p1 vm0, $0x0, v1;
	s17 =	spop (v2sf)  }
0x7f: {  	v1 =	vmin.u32 @!p1 v1, $0x1FFFF;
	s17 =	simm.s32 @p0 $0xFFFFFFFF;
	s24 =	spop (v2sf)  }
0x80: {  	(v2sf) =	vpush @!p1 v1, $0x0;
	p0 =	seq.s32 s24, s17  }
0x81: {  	p5 =	por p6, p6;
	vm0 =	vgt.s32 @!p0 v4, $0x0  }
0x82: {  	p3 =	por p5, p5;
	s17 =	spop @!p2 (v2sf);
	v1 =	vnsel @!p0 vm0, $0x0, v4  }
0x83: {  	p3 =	por p3, p3;
	v1 =	vmin.u32 @!p0 v1, $0x1FFFF;
	s18 =	spop (v2sf)  }
0x84: {  	p6 =	por p4, p4;
	(v2sf) =	vpush @!p0 v1, $0x0;
	s18 =	simm.s32 @p3 $0xFFFFFFFF;
	s25 =	spop (v2sf)  }
0x85: {  	p5 =	por p6, p6;
	p3 =	seq.s32 s25, s18  }
0x86: {  	p6 =	por p2, p2;
	s16 =	sshll.u32 @!p5 s16, $0x4;
	vm0 =	vgt.s32 @!p3 v3, $0x0  }
0x87: {  	s16 =	sadd.s32 @!p5 s3, s16;
	s18 =	sadd.s32 @!p4 s19, s14;
	s19 =	simm.s32 @!p5 $0x80;
	v1 =	vnsel @!p3 vm0, $0x0, v3  }
0x88: {  	[tilespmem:s18], [sflag:$0x1] =	stream.strided.gather @!p5 [hbm:s16], $0x80, s19, s19, $0x38;
	v1 =	vmin.u32 @!p3 v1, $0x1FFFF;
	[tilespmem:$0x10400] =	vst v63  }
0x89: {  	p4 =	por p6, p6;
	s16 =	sshll.u32 @!p2 s20, $0x9;
	(v2sf) =	vpush @!p3 v1, $0x0  }
0x8a: {  	s18 =	sadd.s32 @!p2 $0x1, s20;
	s17 =	sshll.u32 @!p4 s17, $0x4;
	s19 =	simm.s32 @!p4 $0x80  }
0x8b: {  	p5 =	por p0, p0;
	p6 =	por p3, p3;
	s16 =	sshra.s32 @!p2 s16, $0x2  }
0x8c: {  	s18 =	smov.u32 @p2 s20;
	s17 =	sadd.s32 @!p4 s3, s17;
	s16 =	sadd.s32 @!p2 s16, s14  }
0x8d: {  	[tilespmem:s16], [sflag:$0x1] =	stream.strided.gather @!p4 [hbm:s17], $0x80, s19, s19, $0x38;
	[tilespmem:$0x10400] =	vst v63  }
0x8e: {  	s16 =	sshll.u32 @!p1 s18, $0x9;
	p4 =	por p1, p1;
	s17 =	sadd.s32 @!p1 $0x1, s18  }
0x8f: {  	s19 =	spop @!p1 (v2sf);
	p2 =	por p4, p4;
	s16 =	sshra.s32 @!p1 s16, $0x2  }
0x90: {  	s17 =	smov.u32 @p1 s18;
	s18 =	sshll.u32 @!p2 s19, $0x4;
	s16 =	sadd.s32 @!p1 s16, s14  }
0x91: {  	s19 =	simm.s32 @!p2 $0x80;
	p1 =	por p5, p5;
	s18 =	sadd.s32 @!p2 s3, s18  }
0x92: {  	[tilespmem:s16], [sflag:$0x1] =	stream.strided.gather @!p2 [hbm:s18], $0x80, s19, s19, $0x38;
	[tilespmem:$0x10400] =	vst v63  }
0x93: {  	s16 =	sshll.u32 @!p0 s17, $0x9;
	s18 =	sadd.s32 @!p0 $0x1, s17;
	s19 =	spop @!p0 (v2sf)  }
0x94: {  	s16 =	sshra.s32 @!p0 s16, $0x2;
	s18 =	smov.u32 @p0 s17;
	s17 =	sshll.u32 @!p1 s19, $0x4  }
0x95: {  	s16 =	sadd.s32 @!p0 s16, s14;
	s19 =	simm.s32 @!p1 $0x80;
	s17 =	sadd.s32 @!p1 s3, s17  }
0x96: {  	[tilespmem:s16], [sflag:$0x1] =	stream.strided.gather @!p1 [hbm:s17], $0x80, s19, s19, $0x38;
	[tilespmem:$0x10400] =	vst v63  }
0x97: {  	p0 =	por p6, p6;
	s16 =	sshll.u32 @!p3 s18, $0x9  }
0x98: {  	s17 =	sadd.s32 @!p3 $0x1, s18;
	s16 =	sshra.s32 @!p3 s16, $0x2;
	s19 =	spop @!p3 (v2sf)  }
0x99: {  	s17 =	smov.u32 @p3 s18;
	s16 =	sadd.s32 @!p3 s16, s14;
	s18 =	sshll.u32 @!p0 s19, $0x4  }
0x9a: {  	s26 =	sshll.u32 s17, $0x7;
	s19 =	simm.s32 @!p0 $0x80;
	s18 =	sadd.s32 @!p0 s3, s18  }
0x9b: {  	[tilespmem:s16], [sflag:$0x1] =	stream.strided.gather @!p0 [hbm:s18], $0x80, s19, s19, $0x38;
	[tilespmem:$0x10400] =	vst v63  }
0x9c: {  	s16 =	sand.u32 $0x3FFFFF80, s26  }
0x9d: {  	_ =	swait.ge [sflag:s5], s16  }
0x9e: {  	s16 =	ssub.s32 $0x0, s16;
	[sflag:s5] =	ssyncset.done $0x0  }
0x9f: {  	s28 =	sadd.s32 $0x0, s15;
	[sflag:s5] =	ssyncadd.s32 s16  }
0xa0: {  	v1 =	vld.msk [tilespmem:s28+$0x0 ss:$0x1], $0x1;
	_ =	sdelay $0x4  }
0xa1: {  	(v2sf) =	vpush v1, $0x0;
	_ =	sdelay $0xa  }
0xa2: {  	p0 =	por $0x0, $0x0;
	s16 =	simm.s32 $0x1  }
0xa3: {  	s16 =	simm.s32 @!p0 $0x2  }
0xa4: {  	v1 =	vmov s16  }
0xa5: {  	vm15 =	vgt.u32 v1, v0  }
0xa6: {  	s29 =	spop (v2sf)  }
0xa7: {  	s16 =	sshll.u32 s29, $0x4  }
0xa8: {  	s16 =	sand.u32 $0x1FFFFFF0, s16  }
0xa9: {  	s30 =	sadd.s32 $0x0, s14;
	s31 =	sadd.s32 $0x0, s13;
	s16 =	sadd.s32 s4, s16  }
0xaa: {  	[hbm:s16] =	stream.strided.scatter [tilespmem:s30], [sflag:$0x3], $0x80, s11, s11, $0x38;
	[tilespmem:$0x10400] =	vst v63  }
0xab: {  	s17 =	simm.s32 $0x1;
	s18 =	simm.s32 $0x4;
	v1 =	vld.msk [tilespmem:s31+$0x0 ss:$0x1], vm15  }
0xac: {  	s19 =	simm.s32 $0x8;
	p0 =	por p0, p0;
	s16 =	simm.s32 $0x0  }
.LBB2_5:
0xad: {  	p1 =	sne.s32 s19, $0x3FC;
	s20 =	sadd.s32 s17, s15  }
0xae: {  	v2 =	vld.msk [tilespmem:s20+$0x0 ss:$0x1], $0x1;
	_ =	sdelay $0x1  }
0xaf: {  	(v2sf) =	vpush v1, $0x1  }
0xb0: {  	(v2sf) =	vpush v1, $0x0;
	_ =	sdelay $0x2  }
0xb1: {  	(v2sf) =	vpush v2, $0x0;
	_ =	sdelay $0x9  }
0xb2: {  	p2 =	seq.s32 s18, $0x3FC;
	s18 =	smov.u32 s19;
	s20 =	simm.s32 $0x1  }
0xb3: {  	s20 =	simm.s32 @!p2 $0x2;
	s21 =	spop (v2sf)  }
0xb4: {  	s21 =	simm.s32 @p0 $0xFFFFFFFF;
	s22 =	spop (v2sf);
	p0 =	por p2, p2  }
0xb5: {  	v1 =	vmov s20;
	s20 =	simm.s32 $0x1;
	p2 =	sne.s32 s22, s21  }
0xb6: {  	vm0 =	vgt.u32 v1, v0;
	s20 =	simm.s32 @!p2 $0x0  }
0xb7: {  	s21 =	spop (v2sf);
	s16 =	sadd.s32 s20, s16  }
0xb8: {  	s20 =	sshll.u32 s21, $0x4;
	s21 =	sshll.u32 s16, $0x9  }
0xb9: {  	s17 =	sadd.s32 s17, s13;
	s20 =	sand.u32 $0x1FFFFFF0, s20;
	s21 =	sshra.s32 s21, $0x2  }
.Ltmp4:
0xba: {  	s21 =	sadd.s32 s21, s14;
	s20 =	sadd.s32 s4, s20;
	(pc) =	sbr.rel @p1 .LBB2_5-.Ltmp4, $3  }
0xbb: {  	[hbm:s20] =	stream.strided.scatter [tilespmem:s21], [sflag:$0x3], $0x80, s11, s11, $0x38;
	[tilespmem:$0x10400] =	vst v63  }
0xbc: {  	v1 =	vld.msk [tilespmem:s17+$0x0 ss:$0x1], vm0;
	_ =	sdelay $0x1  }
0xbd: {  	s19 =	sadd.s32 $0x4, s19;
	s17 =	sshra.s32 s18, $0x2  }
0xbe: {  	s15 =	sadd.s32 s17, s15  }
0xbf: {  	v2 =	vld.msk [tilespmem:s15+$0x0 ss:$0x1], $0x1  }
0xc0: {  	(v2sf) =	vpush v1, $0x1  }
0xc1: {  	(v2sf) =	vpush v1, $0x0;
	_ =	sdelay $0x2  }
0xc2: {  	(v2sf) =	vpush v2, $0x0;
	_ =	sdelay $0xa  }
0xc3: {  	p1 =	seq.s32 s18, $0x3FC;
	s15 =	simm.s32 $0x1;
	s18 =	spop (v2sf)  }
0xc4: {  	s15 =	simm.s32 @!p1 $0x2;
	s18 =	simm.s32 @p0 $0xFFFFFFFF;
	s19 =	spop (v2sf)  }
0xc5: {  	v1 =	vmov s15;
	s15 =	simm.s32 $0x1;
	p0 =	sne.s32 s19, s18  }
0xc6: {  	vm0 =	vgt.u32 v1, v0;
	s15 =	simm.s32 @!p0 $0x0  }
0xc7: {  	s26 =	spop (v2sf);
	s15 =	sadd.s32 s15, s16  }
0xc8: {  	s28 =	sshll.u32 s26, $0x4;
	s15 =	sshll.u32 s15, $0x9  }
0xc9: {  	s16 =	sand.u32 $0x1FFFFFF0, s28;
	s15 =	sshra.s32 s15, $0x2  }
0xca: {  	s13 =	sadd.s32 s17, s13;
	s14 =	sadd.s32 s15, s14;
	s29 =	sadd.s32 s4, s16  }
0xcb: {  	[hbm:s29] =	stream.strided.scatter [tilespmem:s14], [sflag:$0x3], $0x80, s11, s11, $0x38;
	[tilespmem:$0x10400] =	vst v63  }
0xcc: {  	v1 =	vld.msk [tilespmem:s13+$0x0 ss:$0x1], vm0;
	_ =	sdelay $0x4  }
0xcd: {  	(v2sf) =	vpush v1, $0x1  }
0xce: {  	(v2sf) =	vpush v1, $0x0;
	_ =	sdelay $0xa  }
.Ltmp5:
0xcf: {  	_ = 	snop;
	(pc) =	sbr.rel .LBB2_7-.Ltmp5, $3  }
0xd0: {  	s13 =	sld [smem:$0x7FB];
	_ =	sdelay $0x1  }
0xd1: {  	s30 =	spop (v2sf)  }
0xd2: {  	p3 =	seq.s32 s13, $0x1;
	s31 =	spop (v2sf)  }
.LBB2_8:
0xd3: {  	_ =	sfence.sel $0x180000  }
0xd4: {  	s2 =	simm.s32 $0x2;
	[bflag:$0x0] =	sbarrier.arrive $0xFFFF  }
0xd5: {  	s30 =	simm.s32 $0x3;
	[sflag:s2] =	ssyncpa.u1 $0x1  }
0xd6: {  	s31 =	simm.s32 $0x1;
	[sflag:s30] =	ssyncpa.u1 $0x1  }
0xd7: {  	[sflag:s31] =	ssyncpa.u1 $0x1  }
0xd8: {  	p0 =	sne.s32 s1, $0x0;
	_ =	strace $0x90000047  }
0xd9: {  	s0 =	sadd.s32 @!p0 $0x100000, s0;
	[bflag:$0x2] =	sbarrier.arrive $0xFFFF  }
0xda: {  	[sflag:s0] =	ssyncadd.tile.s32 @!p0 $0x1;
	_ =	shalt  }
.Lfunc_end2:
_tile_overlayer_lowered:
.L_overlay_start_2:
0xdb: {  	(tag) =	ssettag $0x2  }
0xdc: {  	s0 =	rddreg [dreg:$0x0];
	s2 =	stileid.u32  }
0xdd: {  	s1 =	rddreg [dreg:$0x1];
	p0 =	sne.s32 s2, $0x0  }
0xde: {  	s3 =	rddreg [dreg:$0x2];
	[bflag:$0x3] =	sbarrier.arrive $0xFFFF;
	s2 =	simm.s32 @!p0 $0x1C01  }
0xdf: {  	[timem:s3], [sflag:s2] =	dma.local @!p0 [hbm:s0], s1  }
0xe0: {  	s0 =	simm.s32 @!p0 $0x1  }
0xe1: {  	_ =	swait.ge @!p0 [sflag:s0], s1  }
0xe2: {  	s1 =	ssub.s32 @!p0 $0x0, s1;
	[sflag:s0] =	ssyncset.done @!p0 $0x0  }
0xe3: {  	[sflag:s0] =	ssyncadd.s32 @!p0 s1  }
0xe4: {  	[bflag:$0x3] =	sbarrier.arrive $0xFFFF  }
0xe5: {  	_ =	shalt  }

// kernel: scatter_offload_async_start.1
scs
__scs_entry_jumppad:
0x0: {  	(pc) =	sbr.rel $0x88, $3  }
0x1: {  	(tag) =	ssettag $0x0;
	lr =	simm.s32 $0x1  }
0x2: {  	[smem:$0x3F8B] =	sst lr;
	_ =	strace $0xD0000000  }
0x3: {  	_ = 	snop  }
0x4: {  	_ = 	snop  }
0x5: {  	_ = 	snop  }
0x6: {  	_ = 	snop  }
0x7: {  	_ = 	snop  }
__scs_overlays_trampoline_lowered:
0x8: {  	[smem:$0x3F9A] =	sst s0  }
0x9: {  	[smem:$0x3F9B] =	sst s1  }
0xa: {  	[smem:$0x3F9C] =	sst s2  }
0xb: {  	[smem:$0x3F9D] =	sst s3  }
0xc: {  	[smem:$0x3F9E] =	sst s4  }
0xd: {  	[smem:$0x3F9F] =	sst s5  }
0xe: {  	[smem:$0x3FA0] =	sst s6  }
0xf: {  	[smem:$0x3FA1] =	sst s7  }
0x10: {  	[smem:$0x3FA2] =	sst s8  }
0x11: {  	[smem:$0x3FA3] =	sst s9;
	s0 =	simm.s32 @!p0 $0x0  }
0x12: {  	s1 =	sld [smem:$0x3F89];
	s0 =	simm.s32 @p0 $0x1  }
0x13: {  	[smem:$0x3FA4] =	sst s0;
	s0 =	simm.s32 @!p1 $0x0  }
0x14: {  	s2 =	sld [smem:$0x3F88];
	s0 =	simm.s32 @p1 $0x1  }
0x15: {  	[smem:$0x3FA5] =	sst s0;
	s0 =	simm.s32 @!p2 $0x0  }
0x16: {  	s3 =	sld [smem:$0x3FDB];
	s0 =	simm.s32 @p2 $0x1  }
0x17: {  	s4 =	simm.s32 $0x1BF5;
	[smem:$0x3FA7] =	sst s0  }
0x18: {  	s0 =	sld [smem:$0x3F8A];
	_ =	swait.ge [sflag:s4], $0x0  }
0x19: {  	s7 =	sld [smem:$0x3F8B]  }
0x1a: {  	s8 =	sadd.s32 $0xFFFFE003, lr  }
0x1b: {  	s9 =	sadd.s32 $0xFFFFFEF7, lr;
	s5 =	simm.s32 $0xFFFFFFFF;
	p2 =	slt.u32 s8, $0xFFFFF086  }
0x1c: {  	p1 =	slt.u32 s9, $0xF7A;
	s5 =	simm.s32 @!p2 $0x0  }
0x1d: {  	s5 =	simm.s32 @p1 $0x1;
	p0 =	seq.s32 s7, s2  }
0x1e: {  	s7 =	smul.u32 @!p0 $0xF7A, s2;
	p2 =	seq.s32 @!p0 s5, $0x0  }
0x1f: {  	s9 =	smul.u32 $0xF7A, s1;
	s8 =	simm.s32 @!p0 $0x1BF5;
	p2 =	por !p2, p0  }
0x20: {  	[sflag:s8] =	ssyncset.s32 @!p0 $0xFFFFF086;
	s6 =	sadd.s32 @!p0 s3, s7;
	s7 =	simm.s32 @!p0 $0x108  }
0x21: {  	s3 =	sadd.s32 s3, s9;
	s6 =	sadd.s32 @!p0 $0x88, s6;
	s7 =	simm.s32 @p2 $0x1082  }
0x22: {  	[simem:s7], [sflag:s8] =	dma.local @!p0 [hbm:s6], $0xF7A  }
0x23: {  	s9 =	sor.u32 $0xD0000000, s2;
	s6 =	simm.s32 $0x108;
	_ =	swait.ge @!p0 [sflag:s8], $0x0  }
0x24: {  	s3 =	sadd.s32 $0x88, s3;
	s6 =	simm.s32 @!p1 $0x1082;
	[sflag:s4] =	ssyncset.s32 $0xFFFFF086  }
0x25: {  	[simem:s6], [sflag:s4] =	dma.local [hbm:s3], $0xF7A  }
0x26: {  	[smem:$0x3F8B] =	sst s1;
	(tag) =	ssettag s2;
	_ =	strace s9  }
0x27: {  	s1 =	sld [smem:$0x3F9B]  }
0x28: {  	s2 =	sld [smem:$0x3F9C]  }
0x29: {  	s4 =	sld [smem:$0x3F9E]  }
0x2a: {  	p0 =	seq.s32 s5, $0x0;
	s5 =	sld [smem:$0x3F9F]  }
0x2b: {  	s6 =	sld [smem:$0x3FA0]  }
0x2c: {  	s7 =	sld [smem:$0x3FA1]  }
0x2d: {  	s3 =	simm.s32 $0x108;
	s8 =	sld [smem:$0x3FA2]  }
0x2e: {  	s3 =	simm.s32 @!p0 $0x1082;
	s9 =	sld [smem:$0x3FA3]  }
0x2f: {  	lr =	sadd.s32 s0, s3;
	s0 =	sld [smem:$0x3F9A]  }
0x30: {  	s3 =	sld [smem:$0x3F9D]  }
0x31: {  	[smem:$0x3FA6] =	sst s10  }
0x32: {  	s10 =	sld [smem:$0x3FA4];
	_ =	sdelay $0x3  }
0x33: {  	p0 =	seq.s32 s10, $0x1;
	s10 =	sld [smem:$0x3FA6];
	_ =	sdelay $0x3  }
0x34: {  	[smem:$0x3FA6] =	sst s10  }
0x35: {  	s10 =	sld [smem:$0x3FA5];
	_ =	sdelay $0x3  }
0x36: {  	p1 =	seq.s32 s10, $0x1;
	s10 =	sld [smem:$0x3FA6];
	_ =	sdelay $0x3  }
0x37: {  	[smem:$0x3FA6] =	sst s10  }
0x38: {  	s10 =	sld [smem:$0x3FA7]  }
0x39: {  	_ = 	snop;
	(pc) =	sbr.ind lr, $3  }
0x3a: {  	_ = 	snop  }
0x3b: {  	_ = 	snop  }
0x3c: {  	p2 =	seq.s32 s10, $0x1;
	s10 =	sld [smem:$0x3FA6]  }
0x3d: {  	_ =	shalt  }
0x3e: {  	_ =	shalt  }
0x3f: {  	_ =	shalt  }
0x40: {  	_ =	shalt  }
0x41: {  	_ =	shalt  }
0x42: {  	_ =	shalt  }
0x43: {  	_ =	shalt  }
0x44: {  	_ =	shalt  }
0x45: {  	_ =	shalt  }
0x46: {  	_ =	shalt  }
0x47: {  	_ =	shalt  }
0x48: {  	_ =	shalt  }
0x49: {  	_ =	shalt  }
0x4a: {  	_ =	shalt  }
0x4b: {  	_ =	shalt  }
0x4c: {  	_ =	shalt  }
0x4d: {  	_ =	shalt  }
0x4e: {  	_ =	shalt  }
0x4f: {  	_ =	shalt  }
0x50: {  	_ =	shalt  }
0x51: {  	_ =	shalt  }
0x52: {  	_ =	shalt  }
0x53: {  	_ =	shalt  }
0x54: {  	_ =	shalt  }
0x55: {  	_ =	shalt  }
0x56: {  	_ =	shalt  }
0x57: {  	_ =	shalt  }
0x58: {  	_ =	shalt  }
0x59: {  	_ =	shalt  }
0x5a: {  	_ =	shalt  }
0x5b: {  	_ =	shalt  }
0x5c: {  	_ =	shalt  }
0x5d: {  	_ =	shalt  }
0x5e: {  	_ =	shalt  }
0x5f: {  	_ =	shalt  }
0x60: {  	_ =	shalt  }
0x61: {  	_ =	shalt  }
0x62: {  	_ =	shalt  }
0x63: {  	_ =	shalt  }
0x64: {  	_ =	shalt  }
0x65: {  	_ =	shalt  }
0x66: {  	_ =	shalt  }
0x67: {  	_ =	shalt  }
0x68: {  	_ =	shalt  }
0x69: {  	_ =	shalt  }
0x6a: {  	_ =	shalt  }
0x6b: {  	_ =	shalt  }
0x6c: {  	_ =	shalt  }
0x6d: {  	_ =	shalt  }
0x6e: {  	_ =	shalt  }
0x6f: {  	_ =	shalt  }
0x70: {  	_ =	shalt  }
0x71: {  	_ =	shalt  }
0x72: {  	_ =	shalt  }
0x73: {  	_ =	shalt  }
0x74: {  	_ =	shalt  }
0x75: {  	_ =	shalt  }
0x76: {  	_ =	shalt  }
0x77: {  	_ =	shalt  }
0x78: {  	_ =	shalt  }
0x79: {  	_ =	shalt  }
0x7a: {  	_ =	shalt  }
0x7b: {  	_ =	shalt  }
0x7c: {  	_ =	shalt  }
0x7d: {  	_ =	shalt  }
0x7e: {  	_ =	shalt  }
0x7f: {  	_ =	shalt  }
0x80: {  	_ =	shalt  }
0x81: {  	_ =	shalt  }
0x82: {  	_ =	shalt  }
0x83: {  	_ =	shalt  }
0x84: {  	_ =	shalt  }
0x85: {  	_ =	shalt  }
0x86: {  	_ =	shalt  }
0x87: {  	_ =	shalt  }
.Lfunc_end0:
.L_simem_size_0:
called_computation.1_lowered:
.L_overlay_start_0:
0x88: {  	s2 =	sld [smem:$0x3FD9]  }
0x89: {  	s3 =	sld [smem:$0x3FFE];
	_ =	sdelay $0x1  }
0x8a: {  	s1 =	srdreg.scid  }
0x8b: {  	s0 =	sand.u32 $0x1, s1  }
0x8c: {  	s15 =	sshll.u32 s0, $0xA;
	s2 =	sadd.s32 s3, s2  }
0x8d: {  	s2 =	sadd.s32 s2, s15  }
0x8e: {  	[smem:$0x3FB2] =	sst s2  }
0x8f: {  	_ = 	snop  }
0x90: {  	(tm) =	ssettm $0x1  }
0x91: {  	s16 =	sld [smem:$0x3FFB];
	_ =	sdelay $0x3  }
0x92: {  	_ =	strace s16  }
0x93: {  	s2 =	sld [smem:$0x3FFC];
	_ =	sdelay $0x3  }
0x94: {  	_ =	strace s2  }
0x95: {  	s2 =	sld [smem:$0x3FFD];
	_ =	sdelay $0x3  }
0x96: {  	_ =	strace s2  }
0x97: {  	_ =	strace $0x8FFFFFFF  }
0x98: {  	s17 =	sld [smem:$0x3FDB];
	_ =	sdelay $0x1  }
0x99: {  	s18 =	simm.s32 $_scs_section_size  }
0x9a: {  	s4 =	simm.s32 $_size__tile_overlayer_lowered;
	s5 =	simm.s32 $_tile_overlayer_lowered  }
0x9b: {  	s21 =	simm.s32 $0x1BFF;
	s20 =	sshll.u32 s5, $0x1;
	s2 =	sadd.s32 s18, s17  }
0x9c: {  	s6 =	simm.s32 $0x0;
	s19 =	sshll.u32 s4, $0x1;
	s4 =	sadd.s32 s20, s2  }
0x9d: {  	[timem:s6], [sflag:s21] =	dma.local [hbm:s4], s19  }
0x9e: {  	_ =	swait.ge [sflag:s21], s19  }
0x9f: {  	s3 =	ssub.s32 $0x0, s19;
	[sflag:s21] =	ssyncset.done $0x0  }
0xa0: {  	[sflag:s21] =	ssyncadd.s32 s3;
	_ =	sdelay $0x1  }
0xa1: {  	s22 =	simm.s32 $0x1B8B  }
0xa2: {  	_ =	swait.ge [sflag:s22], $0x1  }
0xa3: {  	[sflag:s22] =	ssyncset.done $0x0  }
0xa4: {  	s23 =	sld [smem:$0x3FFE];
	[sflag:s22] =	ssyncadd.s32 $0xFFFFFFFF  }
0xa5: {  	s25 =	simm.s32 $0x1B8E;
	s24 =	sld [smem:$0x0]  }
0xa6: {  	s26 =	simm.s32 $execute0_lowered;
	[smem:$0x3FD2] =	sst s25  }
0xa7: {  	s5 =	sshll.u32 s26, $0x1;
	_ =	strace $0x8000004F;
	[dreg:$0x1] =	wrdreg $0xFFFFFFFF  }
0xa8: {  	s28 =	simm.s32 $_size_execute0_lowered;
	s2 =	sadd.s32 s2, s5;
	[dreg:$0x0] =	wrdreg $0x0  }
0xa9: {  	s5 =	sshll.u32 s28, $0x1;
	[dreg:$0x2] =	wrdreg s2  }
0xaa: {  	[dreg:$0x3] =	wrdreg s5  }
0xab: {  	[dreg:$0x4] =	wrdreg $0xC0  }
0xac: {  	_ =	task [dreg:s6], $0x5FFFF  }
0xad: {  	[dreg:$0x1] =	wrdreg $0xFFFFFFFF  }
0xae: {  	[dreg:$0x0] =	wrdreg $0x60  }
0xaf: {  	[dreg:$0x2] =	wrdreg s23  }
0xb0: {  	[dreg:$0x3] =	wrdreg s1  }
0xb1: {  	[dreg:$0x4] =	wrdreg s24  }
0xb2: {  	[dreg:$0x5] =	wrdreg $0x9  }
0xb3: {  	_ =	task.clear_ibuf [dreg:s6], $0x6FFFF;
	_ =	strace $0x9000004F  }
0xb4: {  	s29 =	simm.s32 $0x9;
	_ =	strace $0x80000051  }
0xb5: {  	_ =	swait.ge [sflag:s29], $0x1  }
0xb6: {  	[sflag:s29] =	ssyncadd.s32 $0xFFFFFFFF  }
0xb7: {  	_ =	strace $0x90000051  }
0xb8: {  	_ =	sfence  }
0xb9: {  	s30 =	sld [smem:$0x0];
	_ =	sdelay $0x2  }
0xba: {  	s31 =	sshll.u32 s1, $0xD;
	s1 =	sshrl.u32 s1, $0x2  }
0xbb: {  	s3 =	sand.u32 $0x4000, s31;
	s1 =	sadd.s32 s1, s30  }
0xbc: {  	s0 =	sor.u32 s3, s0;
	s1 =	sshll.u32 s1, $0x11  }
0xbd: {  	s0 =	sor.u32 s1, s0  }
0xbe: {  	s0 =	sadd.s32 $0x8F2B, s0  }
0xbf: {  	[sflag:s0] =	ssyncadd.remote.s32 $0x1  }
0xc0: {  	_ =	sfence.sel $0xFFFF  }
0xc1: {  	[dreg:$0x0] =	wrdreg $0xFFFFFFFF;
	(pc) =	sbr.abs _section_cstart, $3  }
0xc2: {  	[dreg:$0x1] =	wrdreg $0xFFFFFFFF  }
0xc3: {  	_ =	task.clear_ibuf [dreg:s6], $0x2FFFF;
	_ =	strace $0x9FFFFFFF  }
0xc4: {  	(tm) =	ssettm $0x7FFFFFFF  }
0xc5: {  	_ =	shalt  }
tec
execute0_lowered:
.L_overlay_start_1:
0x0: {  	(tag) =	ssettag $0x1  }
0x1: {  	s15 =	rddreg [dreg:$0x0]  }
0x2: {  	s2 =	rddreg [dreg:$0x1];
	_ =	strace $0x80000050;
	s0 =	simm.s32 $0x1  }
0x3: {  	v0 =	vimm.s32 $0x0;
	[sflag:s0] =	ssyncpa.u1 $0x0;
	s0 =	simm.s32 $0x108  }
0x4: {  	[tilespmem:s0+$0x70] =	vst v0  }
0x5: {  	[tilespmem:s0+$0x60] =	vst v0  }
0x6: {  	[tilespmem:s0+$0x50] =	vst v0  }
0x7: {  	[tilespmem:s0+$0x40] =	vst v0  }
0x8: {  	[tilespmem:s0+$0x30] =	vst v0  }
0x9: {  	s3 =	simm.s32 $0x40;
	s1 =	sadd.s32 $0x21F000, s15;
	[tilespmem:s0+$0x20] =	vst v0  }
0xa: {  	s6 =	sadd.s32 $0x525000, s15;
	s14 =	sadd.s32 $0x6000, s15;
	s5 =	sand.u32 $0x1, s2;
	[tilespmem:s0+$0x10] =	vst v0  }
.LBB2_1:
0xb: {  	s3 =	sadd.s32 $0x40, s3;
	[tilespmem:s0+$0x0] =	vst v0;
	s0 =	sadd.s32 $0x80, s0  }
0xc: {  	p0 =	slt.u32 s3, $0x3C40;
	[tilespmem:s0+$0x70] =	vst v0  }
0xd: {  	[tilespmem:s0+$0x60] =	vst v0  }
.Ltmp0:
0xe: {  	[tilespmem:s0+$0x50] =	vst v0;
	(pc) =	sbr.rel @p0 .LBB2_1-.Ltmp0, $4  }
0xf: {  	[tilespmem:s0+$0x40] =	vst v0  }
0x10: {  	[tilespmem:s0+$0x30] =	vst v0  }
0x11: {  	[tilespmem:s0+$0x20] =	vst v0  }
0x12: {  	[tilespmem:s0+$0x10] =	vst v0  }
0x13: {  	s9 =	stileid.u32  }
0x14: {  	s2 =	smul.u32 $0x19, s9  }
0x15: {  	s3 =	smin.u32 s9, $0xA  }
0x16: {  	s2 =	sadd.s32 s3, s2  }
0x17: {  	p0 =	slt.u32 s9, $0xA;
	s7 =	smul.u32 $0xF0, s2;
	s2 =	simm.s32 $0x1860  }
0x18: {  	s2 =	simm.s32 @!p0 $0x1770  }
0x19: {  	s2 =	sadd.s32 s2, s7  }
0x1a: {  	s8 =	smin.u32 s2, $0x18000  }
0x1b: {  	s2 =	ssub.s32 s8, s7  }
0x1c: {  	p0 =	sgt.s32 s2, $0x0  }
0x1d: {  	s29 =	simm.s32 $0x2;
	s10 =	simm.s32 $0x9;
	s2 =	simm.s32 @!p0 $0x0  }
0x1e: {  	s4 =	simm.s32 $0xA;
	s11 =	simm.s32 $0xB;
	s28 =	smulhi.u32 $0x88888889, s2  }
0x1f: {  	[dreg:$0x4] =	wrdreg s5;
	s31 =	smul.u32 $0x3000, s5;
	s12 =	simm.s32 $0x1  }
0x20: {  	s22 =	simm.s32 $0x0;
	s18 =	simm.s32 $0xC;
	s30 =	sshrl.u32 s28, $0x7  }
0x21: {  	s20 =	simm.s32 $0x0;
	s21 =	simm.s32 $0x0;
	s3 =	smul.u32 $0xF0, s30  }
.Ltmp1:
0x22: {  	[tilespmem:s0+$0x0] =	vst v0;
	v0 =	vimm.s32 $0xFFFFFFFF;
	[sflag:s29] =	ssyncpa.u1 $0x0;
	s16 =	sshll.u32 s9, $0x8;
	(pc) =	sbr.rel .LBB2_3-.Ltmp1, $4  }
0x23: {  	[tilespmem:$0xF208] =	vst v0;
	[sflag:s10] =	ssyncpa.u1 $0x0;
	p0 =	sne.s32 s2, s3;
	s2 =	simm.s32 $0x1  }
0x24: {  	s14 =	sadd.s32 s31, s14;
	[sflag:s4] =	ssyncpa.u1 $0x0;
	s2 =	simm.s32 @!p0 $0x0  }
0x25: {  	s15 =	sadd.s32 s31, s15;
	[sflag:s11] =	ssyncpa.u1 $0x0;
	s13 =	sadd.s32 s2, s30  }
0x26: {  	v0 =	vlaneseq.u32;
	s19 =	smov.u32 s7;
	p0 =	por $0x0, $0x0;
	s17 =	sadd.s32 $0x1, s13  }
.LBB2_18:
0x27: {  	s0 =	sshrl.u32 s31, $0x2  }
.LBB2_20:
0x28: {  	_ =	swait.ge [sflag:s18], s0  }
0x29: {  	s31 =	ssub.s32 $0x0, s0;
	v1 =	vmov s24;
	vm0 =	veq.s32 v0, $0x0;
	[sflag:s18] =	ssyncset.done $0x0  }
0x2a: {  	vm15 =	veq.s32 v0, $0x2;
	v1 =	vsel vm0, s30, v1;
	[sflag:s18] =	ssyncadd.s32 s31  }
0x2b: {  	v1 =	vsel vm15, s22, v1;
	[sflag:s18] =	ssyncpa.u1 $0x1  }
0x2c: {  	[tilespmem:$0xF208] =	vst v1  }
.LBB2_21:
0x2d: {  	s0 =	sadd.s32 $0xF0, s19  }
0x2e: {  	s2 =	smov.u32 s7;
	p1 =	slt.s32 s0, s8  }
0x2f: {  	s2 =	smov.u32 @p1 s0;
	p1 =	sne.s32 s21, s17  }
.Ltmp2:
0x30: {  	_ = 	snop;
	(pc) =	sbr.rel @!p1 .LBB2_22-.Ltmp2, $3  }
0x31: {  	_ =	sdelay $0x1  }
0x32: {  	s22 =	smov.u32 s20;
	s31 =	sadd.s32 $0x1, s21;
	s20 =	smov.u32 s19  }
0x33: {  	p0 =	por !p0, !p0;
	s21 =	smov.u32 s31;
	s19 =	smov.u32 s2  }
.LBB2_3:
0x34: {  	p1 =	sge.u32 s21, s13  }
0x35: {  	s0 =	smulhi.u32 @!p1 $0xAAAAAAAB, s21  }
0x36: {  	s2 =	smov.u32 s19;
	p2 =	sgt.s32 @!p1 s19, $0x17F10  }
0x37: {  	s3 =	sshra.s32 @!p1 s19, $0x1F;
	p2 =	por !p2, p1;
	s0 =	sshrl.u32 @!p1 s0, $0x1  }
0x38: {  	s3 =	sand.u32 @!p1 s3, s19;
	s2 =	simm.s32 @p2 $0x17F10;
	s0 =	smul.u32 @!p1 $0x3, s0  }
0x39: {  	s2 =	ssub.s32 @!p1 s2, s3  }
0x3a: {  	s2 =	sadd.s32 @!p1 $0xFFFE80F0, s2;
	s0 =	ssub.s32 @!p1 s21, s0  }
0x3b: {  	s3 =	sshll.u32 @!p1 s2, $0x2;
	p2 =	sgt.s32 @!p1 s2, $0xEF;
	s0 =	smul.u32 @!p1 $0x3C0, s0  }
0x3c: {  	s4 =	sand.u32 @!p1 $0x7, s19;
	s2 =	ssub.s32 @!p1 $0x3C0, s3;
	p2 =	por !p2, p1  }
0x3d: {  	s3 =	sshrl.u32 @!p1 s19, $0x3;
	s2 =	sshrl.u32 @!p1 s2, $0x2;
	s0 =	sshrl.u32 @!p1 s0, $0x2  }
0x3e: {  	s3 =	sadd.s32 @!p1 s3, s14;
	s2 =	simm.s32 @!p2 $0x0;
	s0 =	sadd.s32 @!p1 $0x10248, s0  }
0x3f: {  	[tilespmem:s0], [sflag:$0xA] =	stream.linear.gather @!p1 [hbm4b:s3+s4], s2, $0x38;
	[tilespmem:$0x1F6F8] =	vst v63  }
0x40: {  	s0 =	sadd.s32 $0xFFFFFFFF, s21  }
0x41: {  	p1 =	sge.u32 s0, s13  }
0x42: {  	p2 =	sgt.s32 @!p1 s20, $0x17F10  }
0x43: {  	s2 =	smov.u32 s20;
	s3 =	sshra.s32 @!p1 s20, $0x1F;
	p2 =	por !p2, p1  }
0x44: {  	s3 =	sand.u32 @!p1 s3, s20;
	s2 =	simm.s32 @p2 $0x17F10  }
0x45: {  	s2 =	ssub.s32 @!p1 s2, s3  }
0x46: {  	s2 =	sadd.s32 @!p1 $0xFFFE80F0, s2  }
0x47: {  	s4 =	sand.u32 @!p1 $0x1, s0;
	s3 =	sshll.u32 @!p1 s2, $0x2  }
0x48: {  	p2 =	sgt.s32 @!p1 s2, $0xEF;
	s2 =	ssub.s32 @!p1 $0x3C0, s3;
	s3 =	smulhi.u32 @!p1 $0xAAAAAAAB, s0  }
0x49: {  	s23 =	smul.u32 @!p1 $0x3C0, s4;
	p2 =	por !p2, p1;
	s2 =	sshrl.u32 @!p1 s2, $0x2  }
0x4a: {  	s5 =	simm.s32 @!p1 $0xA;
	s2 =	simm.s32 @!p2 $0x0;
	s3 =	sshrl.u32 @!p1 s3, $0x1  }
0x4b: {  	s23 =	sshrl.u32 @!p1 s23, $0x2;
	_ =	swait.ge @!p1 [sflag:s5], s2;
	s3 =	smul.u32 @!p1 $0x3, s3  }
0x4c: {  	s23 =	sadd.s32 @!p1 $0x10518, s23;
	s24 =	ssub.s32 @!p1 $0x0, s2;
	[sflag:s5] =	ssyncset.done @!p1 $0x0  }
0x4d: {  	[sflag:s5] =	ssyncadd.s32 @!p1 s24;
	s5 =	sshrl.u32 @!p1 s20, $0x3;
	s0 =	ssub.s32 @!p1 s0, s3  }
0x4e: {  	s24 =	sand.u32 @!p1 $0x7, s20;
	s5 =	sadd.s32 @!p1 s5, s15;
	s0 =	smul.u32 @!p1 $0x3C0, s0  }
0x4f: {  	[tilespmem:s23], [sflag:$0xB] =	stream.linear.gather @!p1 [hbm4b:s5+s24], s2, $0x38;
	[tilespmem:$0x1F6F8] =	vst v63  }
0x50: {  	s3 =	ssub.s32 @!p1 $0x18000, s20;
	s2 =	smul.u32 @!p1 $0x1E000, s4  }
0x51: {  	p2 =	slt.s32 @!p1 s3, $0xF0  }
0x52: {  	p2 =	por !p2, p1;
	s0 =	sshrl.u32 @!p1 s0, $0x2;
	s2 =	sshrl.u32 @!p1 s2, $0x2  }
0x53: {  	s3 =	simm.s32 @p2 $0xF0;
	s0 =	sadd.s32 @!p1 $0x10248, s0;
	s2 =	sor.u32 @!p1 $0x106F8, s2  }
0x54: {  	[tilespmem:s2], [sflag:$0x9] =	stream.indirect.gather @!p1 [hbm4b:s6+s3], $0x80, s0, s3, $0xb8;
	[tilespmem:$0x1F6F8] =	vst v63  }
0x55: {  	p1 =	slt.u32 s21, $0x2  }
.Ltmp3:
0x56: {  	_ = 	snop;
	(pc) =	sbr.rel @p1 .LBB2_21-.Ltmp3, $1  }
0x57: {  	_ =	sdelay $0x3  }
0x58: {  	p1 =	sgt.s32 s22, $0x17F10  }
0x59: {  	s0 =	smov.u32 s22;
	s2 =	sshra.s32 s22, $0x1F;
	s3 =	ssub.s32 $0x18000, s22  }
0x5a: {  	s0 =	simm.s32 @!p1 $0x17F10;
	s2 =	sand.u32 s2, s22;
	p1 =	slt.s32 s3, $0xF0  }
0x5b: {  	s0 =	ssub.s32 s0, s2;
	s3 =	simm.s32 @!p1 $0xF0  }
0x5c: {  	s0 =	sadd.s32 $0xFFFE80F0, s0;
	s25 =	sshll.u32 s3, $0x7  }
0x5d: {  	s26 =	sshll.u32 s0, $0x2;
	s2 =	sand.u32 $0x3FFFFF80, s25  }
0x5e: {  	p1 =	sgt.s32 s0, $0xEF;
	s29 =	ssub.s32 $0x3C0, s26;
	_ =	swait.ge [sflag:s10], s2  }
0x5f: {  	s2 =	ssub.s32 $0x0, s2;
	[sflag:s10] =	ssyncset.done $0x0;
	s0 =	sshrl.u32 s29, $0x2  }
0x60: {  	[sflag:s10] =	ssyncadd.s32 s2;
	s0 =	simm.s32 @p1 $0x0  }
0x61: {  	_ =	swait.ge [sflag:s11], s0  }
0x62: {  	s0 =	ssub.s32 $0x0, s0;
	[sflag:s11] =	ssyncset.done $0x0  }
0x63: {  	[sflag:s11] =	ssyncadd.s32 s0  }
0x64: {  	v1 =	vld [tilespmem:$0xF208];
	_ =	sdelay $0x4  }
0x65: {  	(v2sf) =	vpush v1, $0x0  }
0x66: {  	(v2sf) =	vpush v1, $0x1  }
0x67: {  	(v2sf) =	vpush v1, $0x2;
	_ =	sdelay $0x3  }
0x68: {  	s0 =	sadd.s32 $0xF0, s22  }
0x69: {  	s2 =	ssub.s32 $0x30000, s22;
	p1 =	slt.s32 s8, s0  }
0x6a: {  	s0 =	smov.u32 @p1 s8;
	p1 =	sgt.s32 s2, $0x0  }
0x6b: {  	s26 =	ssub.s32 s0, s22;
	s2 =	simm.s32 @!p1 $0x0  }
0x6c: {  	p1 =	slt.s32 s2, s26  }
0x6d: {  	s26 =	smov.u32 @p1 s2  }
0x6e: {  	s25 =	simm.s32 $0x1;
	p1 =	slt.s32 s26, $0x1  }
.Ltmp4:
0x6f: {  	s25 =	simm.s32 @!p0 $0x0;
	(pc) =	sbr.rel @p1 .LBB2_8-.Ltmp4, $4  }
0x70: {  	s31 =	smul.u32 $0x3C0, s25  }
0x71: {  	s28 =	spop (v2sf)  }
0x72: {  	s0 =	sshrl.u32 s31, $0x2;
	s30 =	spop (v2sf)  }
0x73: {  	s23 =	sadd.s32 $0x10518, s0;
	s22 =	spop (v2sf)  }
0x74: {  	s0 =	smin.u32 s26, $0x10  }
0x75: {  	v1 =	vmov s0  }
0x76: {  	p2 =	sgt.s32 s26, $0x10;
	vm1 =	vgt.u32 v1, v0  }
.Ltmp5:
0x77: {  	_ = 	snop;
	(pc) =	sbr.rel @!p2 .LBB2_7-.Ltmp5, $2  }
0x78: {  	_ =	sdelay $0x2  }
0x79: {  	s4 =	simm.s32 $0x10;
	s24 =	sadd.s32 $0xFFFFFFF0, s26;
	s0 =	smov.u32 s23;
	vm0 =	vmmov vm1  }
.LBB2_6:
0x7a: {  	s2 =	smin.u32 s24, $0x10;
	s4 =	sadd.s32 $0x10, s4;
	v1 =	vld.msk [tilespmem:s0+$0x0 ss:$0x1], vm1  }
0x7b: {  	v2 =	vmov s2;
	p2 =	slt.s32 s4, s26  }
0x7c: {  	vm1 =	vgt.u32 v2, v0  }
.Ltmp6:
0x7d: {  	(pc) =	sbr.rel @p2 .LBB2_6-.Ltmp6, $3  }
0x7e: {  	_ =	sdelay $0x1  }
0x7f: {  	v1 =	vshll.u32 v1, $0x4  }
0x80: {  	s24 =	sadd.s32 $0xFFFFFFF0, s24;
	[tilespmem:s0+$0x0] =	vst.msk vm0, v1;
	s0 =	sadd.s32 $0x10, s0;
	vm0 =	vmmov vm1  }
.LBB2_7:
0x81: {  	_ =	sdelay $0x4  }
0x82: {  	v1 =	vld.msk [tilespmem:s0+$0x0 ss:$0x1], vm1;
	_ =	sdelay $0x4  }
0x83: {  	v1 =	vshll.u32 v1, $0x4  }
0x84: {  	[tilespmem:s0+$0x0] =	vst.msk vm0, v1  }
.LBB2_8:
0x85: {  	s0 =	sand.u32 $0x1, s21  }
0x86: {  	s0 =	smul.u32 $0xF0, s0  }
0x87: {  	p2 =	sne.s32 s30, $0xFFFFFFFF  }
0x88: {  	v1 =	vld.msk @!p2 [tilespmem:s0+$0x10518], $0x1;
	_ =	sdelay $0x4  }
0x89: {  	(v2sf) =	vpush @!p2 v1, $0x0;
	_ =	sdelay $0xc  }
.Ltmp7:
0x8a: {  	_ = 	snop;
	(pc) =	sbr.rel @p1 .LBB2_19-.Ltmp7, $4  }
0x8b: {  	_ = 	snop  }
0x8c: {  	s29 =	spop @!p2 (v2sf)  }
0x8d: {  	s22 =	simm.s32 @!p2 $0x0;
	s24 =	smov.u32 s29  }
0x8e: {  	[sflag:s18] =	ssyncpa.u1 $0x0;
	s29 =	smov.u32 @p2 s28;
	s24 =	smov.u32 @p2 s30  }
0x8f: {  	v1 =	vld.msk [tilespmem:s23+$0x0], $0x1;
	_ =	sdelay $0x4  }
0x90: {  	(v2sf) =	vpush v1, $0x0;
	_ =	sdelay $0xe  }
0x91: {  	s2 =	smul.u32 $0x1E000, s25;
	s0 =	spop (v2sf)  }
0x92: {  	s26 =	ssub.s32 $0x0, s26;
	p1 =	seq.s32 s29, s0  }
0x93: {  	s30 =	sadd.s32 $0x1, s26;
	s2 =	sshrl.u32 s2, $0x2;
	p2 =	sgt.s32 @!p1 s29, $0x0  }
0x94: {  	s25 =	sor.u32 $0x10738, s2;
	s2 =	smov.u32 s29;
	p2 =	por !p2, p1  }
0x95: {  	s2 =	simm.s32 @p2 $0x0;
	p2 =	seq.s32 s30, $0x0  }
.Ltmp8:
0x96: {  	_ = 	snop;
	(pc) =	sbr.rel @p2 .LBB2_11-.Ltmp8, $4  }
0x97: {  	_ = 	snop  }
0x98: {  	s28 =	simm.s32 $0x0;
	s31 =	sadd.s32 $0x1, s23;
	s2 =	smin.u32 @!p1 s2, $0xFFFF0  }
0x99: {  	s4 =	simm.s32 @!p1 $0x1;
	s5 =	simm.s32 @!p1 $0x7988;
	s3 =	sand.u32 @!p1 $0xFFFF8, s2  }
0x9a: {  	s4 =	smov.u32 @p1 s28;
	s2 =	sand.u32 @!p1 $0x7, s2;
	s3 =	sadd.s32 @!p1 s1, s3  }
.LBB2_10:
0x9b: {  	s9 =	smov.u32 s4  }
0x9c: {  	[tilespmem:s5], [sflag:$0x2] =	stream.linear.gather @!p1 [hbm4b:s3+s2], $0x80, $0x38;
	[tilespmem:$0x1F6F8] =	vst v63  }
0x9d: {  	s30 =	sadd.s32 $0x1, s30;
	s2 =	smov.u32 s0;
	v1 =	vld.msk [tilespmem:s31+$0x0], $0x1  }
0x9e: {  	p2 =	seq.s32 s30, $0x0;
	_ =	sdelay $0x3  }
0x9f: {  	(v2sf) =	vpush v1, $0x0;
	_ =	sdelay $0xe  }
0xa0: {  	s0 =	spop (v2sf)  }
0xa1: {  	p1 =	seq.s32 s2, s0  }
0xa2: {  	p3 =	sgt.s32 @!p1 s2, $0x0;
	s3 =	sshll.u32 @!p1 s4, $0x9;
	s4 =	sadd.s32 @!p1 $0x1, s4  }
.Ltmp9:
0xa3: {  	p3 =	por !p3, p1;
	s3 =	sshra.s32 @!p1 s3, $0x2;
	(pc) =	sbr.rel @!p2 .LBB2_10-.Ltmp9, $4  }
0xa4: {  	s4 =	smov.u32 @p1 s9;
	s2 =	simm.s32 @p3 $0x0;
	s5 =	sadd.s32 @!p1 $0x7988, s3  }
0xa5: {  	s2 =	smin.u32 @!p1 s2, $0xFFFF0  }
0xa6: {  	s3 =	sand.u32 @!p1 $0xFFFF8, s2;
	s2 =	sand.u32 @!p1 $0x7, s2  }
0xa7: {  	s31 =	sadd.s32 $0x1, s31;
	s3 =	sadd.s32 @!p1 s1, s3  }
.LBB2_11:
0xa8: {  	[tilespmem:s5], [sflag:$0x2] =	stream.linear.gather @!p1 [hbm4b:s3+s2], $0x80, $0x38;
	[tilespmem:$0x1F6F8] =	vst v63  }
.Ltmp10:
0xa9: {  	s0 =	sshll.u32 s4, $0x7;
	(pc) =	sbr.rel .LBB2_12-.Ltmp10, $4  }
0xaa: {  	s30 =	simm.s32 $0x2;
	s0 =	sand.u32 $0x3FFFFF80, s0  }
0xab: {  	_ =	swait.ge [sflag:s30], s0  }
0xac: {  	s0 =	ssub.s32 $0x0, s0;
	[sflag:s30] =	ssyncset.done $0x0  }
0xad: {  	s31 =	simm.s32 $0x0;
	[sflag:s30] =	ssyncadd.s32 s0  }
.LBB2_13:
0xae: {  	v1 =	vld [tilespmem:s25+$0xFFFFFFC0];
	_ =	sdelay $0x3  }
0xaf: {  	s0 =	sshra.s32 s0, $0x2  }
0xb0: {  	[tilespmem:s0+$0x108] =	vst.add.f32.msk $0xffff, v1  }
0xb1: {  	v1 =	vld [tilespmem:s25+$0xFFFFFFD0];
	_ =	sdelay $0x4  }
0xb2: {  	[tilespmem:s0+$0x118] =	vst.add.f32.msk $0xffff, v1  }
0xb3: {  	v1 =	vld [tilespmem:s25+$0xFFFFFFE0];
	_ =	sdelay $0x4  }
0xb4: {  	[tilespmem:s0+$0x128] =	vst.add.f32.msk $0xffff, v1  }
0xb5: {  	v1 =	vld [tilespmem:s25+$0xFFFFFFF0];
	_ =	sdelay $0x4  }
0xb6: {  	[tilespmem:s0+$0x138] =	vst.add.f32.msk $0xffff, v1  }
0xb7: {  	v1 =	vld [tilespmem:s25+$0x0];
	_ =	sdelay $0x4  }
0xb8: {  	[tilespmem:s0+$0x148] =	vst.add.f32.msk $0xffff, v1  }
0xb9: {  	v1 =	vld [tilespmem:s25+$0x10];
	_ =	sdelay $0x4  }
0xba: {  	[tilespmem:s0+$0x158] =	vst.add.f32.msk $0xffff, v1  }
0xbb: {  	v1 =	vld [tilespmem:s25+$0x20];
	_ =	sdelay $0x4  }
0xbc: {  	[tilespmem:s0+$0x168] =	vst.add.f32.msk $0xffff, v1  }
0xbd: {  	v1 =	vld [tilespmem:s25+$0x30];
	_ =	sdelay $0x4  }
0xbe: {  	[tilespmem:s0+$0x178] =	vst.add.f32.msk $0xffff, v1  }
.LBB2_17:
0xbf: {  	s26 =	sadd.s32 $0x1, s26  }
0xc0: {  	p1 =	seq.s32 s26, $0x0  }
.Ltmp11:
0xc1: {  	_ = 	snop;
	(pc) =	sbr.rel @p1 .LBB2_18-.Ltmp11, $2  }
0xc2: {  	_ =	sdelay $0x2  }
0xc3: {  	s23 =	sadd.s32 $0x1, s23;
	s25 =	sadd.s32 $0x80, s25;
	s29 =	smov.u32 s30  }
.LBB2_12:
0xc4: {  	v1 =	vld.msk [tilespmem:s23+$0x0], $0x1;
	_ =	sdelay $0x4  }
0xc5: {  	(v2sf) =	vpush v1, $0x0;
	_ =	sdelay $0xe  }
0xc6: {  	s30 =	spop (v2sf)  }
0xc7: {  	p1 =	sne.s32 s29, s30  }
.Ltmp12:
0xc8: {  	_ = 	snop;
	(pc) =	sbr.rel @!p1 .LBB2_13-.Ltmp12, $2  }
0xc9: {  	_ =	sdelay $0x2  }
0xca: {  	s0 =	sshll.u32 s22, $0x9  }
0xcb: {  	p1 =	seq.s32 s29, s24  }
.Ltmp13:
0xcc: {  	_ = 	snop;
	(pc) =	sbr.rel @!p1 .LBB2_15-.Ltmp13, $1  }
0xcd: {  	_ =	sdelay $0x3  }
0xce: {  	s0 =	sshra.s32 s0, $0x2  }
.Ltmp14:
0xcf: {  	s0 =	sadd.s32 $0x108, s0;
	(pc) =	sbr.rel .LBB2_16-.Ltmp14, $4  }
0xd0: {  	[spmem:s16] =	stream.linear.scatter [tilespmem:s0], [sflag:$0x1], $0x80, $0x38;
	[tilespmem:$0x1F6F8] =	vst v63  }
0xd1: {  	_ =	swait.ge [sflag:s12], $0x80  }
0xd2: {  	[sflag:s12] =	ssyncset.done $0x0  }
0xd3: {  	[sflag:s12] =	ssyncadd.s32 $0xFFFFFF80  }
.LBB2_15:
0xd4: {  	s2 =	sshll.u32 s28, $0x9  }
0xd5: {  	s2 =	sshra.s32 s2, $0x2  }
0xd6: {  	v1 =	vld [tilespmem:s2+$0x7988];
	_ =	sdelay $0x3  }
0xd7: {  	s0 =	sshra.s32 s0, $0x2  }
0xd8: {  	[tilespmem:s0+$0x108] =	vst.add.f32.msk $0xffff, v1  }
0xd9: {  	v1 =	vld [tilespmem:s2+$0x7998];
	_ =	sdelay $0x4  }
0xda: {  	[tilespmem:s0+$0x118] =	vst.add.f32.msk $0xffff, v1  }
0xdb: {  	v1 =	vld [tilespmem:s2+$0x79A8];
	_ =	sdelay $0x4  }
0xdc: {  	[tilespmem:s0+$0x128] =	vst.add.f32.msk $0xffff, v1  }
0xdd: {  	v1 =	vld [tilespmem:s2+$0x79B8];
	_ =	sdelay $0x4  }
0xde: {  	[tilespmem:s0+$0x138] =	vst.add.f32.msk $0xffff, v1  }
0xdf: {  	v1 =	vld [tilespmem:s2+$0x79C8];
	_ =	sdelay $0x4  }
0xe0: {  	[tilespmem:s0+$0x148] =	vst.add.f32.msk $0xffff, v1  }
0xe1: {  	v1 =	vld [tilespmem:s2+$0x79D8];
	_ =	sdelay $0x4  }
0xe2: {  	[tilespmem:s0+$0x158] =	vst.add.f32.msk $0xffff, v1  }
0xe3: {  	v1 =	vld [tilespmem:s2+$0x79E8];
	_ =	sdelay $0x4  }
0xe4: {  	[tilespmem:s0+$0x168] =	vst.add.f32.msk $0xffff, v1  }
0xe5: {  	v1 =	vld [tilespmem:s2+$0x79F8];
	_ =	sdelay $0x2  }
0xe6: {  	p1 =	sgt.u32 s29, $0xFFFF0  }
0xe7: {  	s2 =	sand.u32 @!p1 $0xFFFF8, s29  }
0xe8: {  	s3 =	sadd.s32 $0x108, s0;
	[tilespmem:s0+$0x178] =	vst.add.f32.msk $0xffff, v1;
	s0 =	sadd.s32 @!p1 s1, s2;
	s2 =	sand.u32 @!p1 $0x7, s29  }
0xe9: {  	[hbm4b:s0+s2] =	stream.linear.scatter @!p1 [tilespmem:s3], [sflag:$0xC], $0x80, $0x38;
	[tilespmem:$0x1F6F8] =	vst v63  }
0xea: {  	s0 =	simm.s32 $0x0  }
0xeb: {  	s0 =	simm.s32 @!p1 $0x200  }
0xec: {  	s31 =	sadd.s32 s0, s31  }
.LBB2_16:
0xed: {  	s0 =	sadd.s32 $0x1, s22  }
0xee: {  	s2 =	smulhi.u32 $0x88888889, s0;
	_ =	sdelay $0x1  }
0xef: {  	v1 =	vld [tilespmem:s25+$0xFFFFFFC0];
	s2 =	sshrl.u32 s2, $0x7  }
0xf0: {  	s2 =	smul.u32 $0xF0, s2;
	_ =	sdelay $0x1  }
0xf1: {  	s22 =	ssub.s32 s0, s2  }
0xf2: {  	s0 =	sshll.u32 s22, $0x7  }
0xf3: {  	[tilespmem:s0+$0x108] =	vst v1  }
0xf4: {  	v1 =	vld [tilespmem:s25+$0xFFFFFFD0];
	_ =	sdelay $0x4  }
0xf5: {  	[tilespmem:s0+$0x118] =	vst v1  }
0xf6: {  	v1 =	vld [tilespmem:s25+$0xFFFFFFE0];
	_ =	sdelay $0x4  }
0xf7: {  	[tilespmem:s0+$0x128] =	vst v1  }
0xf8: {  	v1 =	vld [tilespmem:s25+$0xFFFFFFF0];
	_ =	sdelay $0x4  }
0xf9: {  	[tilespmem:s0+$0x138] =	vst v1  }
0xfa: {  	v1 =	vld [tilespmem:s25+$0x0];
	_ =	sdelay $0x4  }
0xfb: {  	[tilespmem:s0+$0x148] =	vst v1  }
0xfc: {  	v1 =	vld [tilespmem:s25+$0x10];
	_ =	sdelay $0x4  }
0xfd: {  	[tilespmem:s0+$0x158] =	vst v1  }
0xfe: {  	v1 =	vld [tilespmem:s25+$0x20];
	_ =	sdelay $0x4  }
0xff: {  	[tilespmem:s0+$0x168] =	vst v1  }
0x100: {  	v1 =	vld [tilespmem:s25+$0x30]  }
.Ltmp15:
0x101: {  	_ = 	snop;
	(pc) =	sbr.rel .LBB2_17-.Ltmp15, $2  }
0x102: {  	_ =	sdelay $0x2  }
0x103: {  	s28 =	sadd.s32 $0x1, s28;
	[tilespmem:s0+$0x178] =	vst v1  }
.LBB2_19:
.Ltmp16:
0x104: {  	(pc) =	sbr.rel .LBB2_20-.Ltmp16, $4  }
0x105: {  	_ = 	snop  }
0x106: {  	s0 =	simm.s32 $0x2  }
0x107: {  	_ =	swait.ge [sflag:s0], $0x0  }
0x108: {  	s30 =	smov.u32 s29;
	[sflag:s0] =	ssyncset.done $0x0;
	s0 =	simm.s32 $0x0  }
.LBB2_22:
0x109: {  	_ =	sfence.sel $0x180000  }
0x10a: {  	s0 =	simm.s32 $0x9;
	[bflag:$0x0] =	sbarrier.arrive $0xFFFF  }
0x10b: {  	s24 =	simm.s32 $0xA;
	[sflag:s0] =	ssyncpa.u1 $0x1  }
0x10c: {  	s25 =	simm.s32 $0xB;
	[sflag:s24] =	ssyncpa.u1 $0x1  }
0x10d: {  	s26 =	simm.s32 $0x2;
	[sflag:s25] =	ssyncpa.u1 $0x1  }
0x10e: {  	[sflag:s26] =	ssyncpa.u1 $0x1  }
0x10f: {  	v0 =	vld [tilespmem:$0xF208];
	_ =	sdelay $0x4  }
0x110: {  	(v2sf) =	vpush v0, $0x0  }
0x111: {  	(v2sf) =	vpush v0, $0x1;
	_ =	sdelay $0x1  }
0x112: {  	(v2sf) =	vpush v0, $0x2;
	_ =	sdelay $0xb  }
0x113: {  	s0 =	spop (v2sf)  }
0x114: {  	s2 =	spop (v2sf)  }
0x115: {  	s3 =	smov.u32 s0;
	p0 =	sne.s32 s0, s2  }
0x116: {  	s4 =	spop (v2sf);
	s3 =	simm.s32 @!p0 $0xFFFFFFFF  }
0x117: {  	v2 =	vimm.s32 $0x1;
	v3 =	vlaneseq.u32;
	p0 =	seq.s32 s4, $0xFFFFFFFF;
	v1 =	vmov s3  }
0x118: {  	s16 =	stileid.u32;
	v0 =	vperm.xlane v0, v2;
	p1 =	sne.s32 @!p0 s0, s2;
	v1 =	vperm.xlane v1, v3  }
0x119: {  	vm0 =	vcmask $0x3F04;
	s6 =	simm.s32 $0xF208;
	s0 =	simm.s32 @!p0 $0x1;
	p1 =	por !p1, p0  }
0x11a: {  	s3 =	sshll.u32 s16, $0x1;
	s2 =	sshll.u32 @!p0 s4, $0x9;
	s0 =	simm.s32 @p1 $0x0;
	v0 =	vsel vm0, v1, v0  }
0x11b: {  	s5 =	sor.u32 $0x1000, s3;
	s2 =	sshra.s32 @!p0 s2, $0x2;
	s0 =	sor.u32 @!p0 s0, s3;
	[tilespmem:$0xF208] =	vst v0  }
0x11c: {  	[spmem:s5] =	stream.linear.scatter [tilespmem:s6], [sflag:$0x1], $0x2, $0x38;
	[tilespmem:$0x1F6F8] =	vst v63  }
0x11d: {  	s2 =	sadd.s32 @!p0 $0x108, s2;
	s0 =	sshll.u32 @!p0 s0, $0x7  }
0x11e: {  	[spmem:s0] =	stream.linear.scatter @!p0 [tilespmem:s2], [sflag:$0x1], $0x80, $0x38;
	[tilespmem:$0x1F6F8] =	vst v63  }
0x11f: {  	s0 =	simm.s32 @!p0 $0x82  }
0x120: {  	s28 =	simm.s32 $0x1;
	s0 =	simm.s32 @p0 $0x2  }
0x121: {  	_ =	swait.ge [sflag:s28], s0  }
0x122: {  	s0 =	ssub.s32 $0x0, s0;
	[sflag:s28] =	ssyncset.done $0x0  }
0x123: {  	p0 =	sne.s32 s16, $0x0;
	[sflag:s28] =	ssyncadd.s32 s0  }
.Ltmp17:
0x124: {  	_ =	sfence.stream.spmem;
	(pc) =	sbr.rel @p0 .LBB2_39-.Ltmp17, $4  }
0x125: {  	s29 =	simm.s32 $0x3;
	[bflag:$0x0] =	sbarrier.arrive $0xFFFF  }
0x126: {  	s30 =	simm.s32 $0x4;
	[sflag:s29] =	ssyncpa.u1 $0x1  }
0x127: {  	s31 =	simm.s32 $0x3C;
	[sflag:s30] =	ssyncpa.u1 $0x1  }
0x128: {  	s15 =	rddreg [dreg:$0x4];
	[sflag:s31] =	ssyncpa.u1 $0x1  }
0x129: {  	_ =	sfence.stream.spmem;
	s0 =	simm.s32 $0x5  }
0x12a: {  	s2 =	simm.s32 $0x1000;
	s3 =	simm.s32 $0xF218;
	[sflag:s0] =	ssyncpa.u1 $0x0  }
0x12b: {  	[tilespmem:s3], [sflag:$0x5] =	stream.linear.gather [spmem:s2], $0x20, $0x38;
	[tilespmem:$0x1F6F8] =	vst v63  }
0x12c: {  	s26 =	simm.s32 $0x0;
	s28 =	simm.s32 $0xF238  }
0x12d: {  	[tilespmem:s28], [sflag:$0x5] =	stream.linear.gather [spmem:s26], $0x1000, $0x38;
	[tilespmem:$0x1F6F8] =	vst v63  }
0x12e: {  	_ =	swait.ge [sflag:s0], $0x1020  }
0x12f: {  	[sflag:s0] =	ssyncset.done $0x0  }
0x130: {  	s29 =	simm.s32 $0x0;
	[sflag:s0] =	ssyncadd.s32 $0xFFFFEFE0  }
0x131: {  	v0 =	vld.msk [tilespmem:s29+$0xF218], $0x1;
	_ =	sdelay $0x1  }
0x132: {  	s30 =	simm.s32 $0x1  }
0x133: {  	v1 =	vld.msk [tilespmem:s30+$0xF218], $0x1;
	_ =	sdelay $0x1  }
0x134: {  	(v2sf) =	vpush v0, $0x0;
	_ =	sdelay $0x2  }
0x135: {  	(v2sf) =	vpush v1, $0x0;
	_ =	sdelay $0x2  }
0x136: {  	s31 =	simm.s32 $0x2  }
0x137: {  	v0 =	vld.msk [tilespmem:s31+$0xF218], $0x1;
	_ =	sdelay $0x2  }
0x138: {  	s4 =	simm.s32 $0xFFFFFFFF;
	s5 =	simm.s32 $0xFFFFFFFF;
	s0 =	simm.s32 $0xC  }
.LBB2_24:
0x139: {  	s2 =	smov.u32 s5;
	s3 =	smov.u32 s4  }
0x13a: {  	s4 =	sshra.s32 s0, $0x2;
	p1 =	sne.s32 s0, $0x7C;
	s0 =	sadd.s32 $0x4, s0;
	(v2sf) =	vpush v0, $0x0  }
0x13b: {  	v0 =	vld.msk [tilespmem:s4+$0xF218], $0x1  }
.Ltmp18:
0x13c: {  	(pc) =	sbr.rel @p1 .LBB2_24-.Ltmp18, $4  }
0x13d: {  	s5 =	spop (v2sf)  }
0x13e: {  	p2 =	sne.s32 s3, $0xFFFFFFFF;
	s4 =	smov.u32 s5  }
0x13f: {  	p3 =	seq.s32 s5, $0xFFFFFFFF;
	s4 =	smov.u32 @p2 s3  }
0x140: {  	s5 =	smov.u32 @p3 s2;
	s4 =	smov.u32 @p3 s3  }
0x141: {  	(v2sf) =	vpush v0, $0x0;
	_ =	sdelay $0x8  }
0x142: {  	s0 =	spop (v2sf)  }
0x143: {  	p1 =	sne.s32 s4, $0xFFFFFFFF;
	s2 =	smov.u32 s0  }
0x144: {  	s9 =	simm.s32 $0x6;
	p2 =	seq.s32 s0, $0xFFFFFFFF;
	s2 =	smov.u32 @p1 s4  }
0x145: {  	s6 =	simm.s32 $0x0;
	s2 =	smov.u32 @p2 s4;
	s3 =	spop (v2sf)  }
0x146: {  	s0 =	smov.u32 @p2 s5;
	p1 =	sne.s32 s2, $0xFFFFFFFF;
	s4 =	smov.u32 s3  }
.Ltmp19:
0x147: {  	p2 =	seq.s32 s3, $0xFFFFFFFF;
	s4 =	smov.u32 @p1 s2;
	(pc) =	sbr.rel .LBB2_26-.Ltmp19, $4  }
0x148: {  	s10 =	simm.s32 $0xF188;
	s4 =	smov.u32 @p2 s2;
	s7 =	spop (v2sf)  }
0x149: {  	s11 =	simm.s32 $0x0;
	p1 =	sne.s32 s4, $0xFFFFFFFF;
	s8 =	smov.u32 s7  }
0x14a: {  	s3 =	smov.u32 @p2 s0;
	p2 =	seq.s32 s7, $0xFFFFFFFF;
	s8 =	smov.u32 @p1 s4  }
0x14b: {  	[sflag:s9] =	ssyncpa.u1 $0x0;
	s7 =	smov.u32 @p2 s3;
	s8 =	smov.u32 @p2 s4  }
.LBB2_32:
0x14c: {  	p1 =	sgt.u32 s12, $0xFFFF0  }
0x14d: {  	p2 =	seq.s32 @!p1 s12, s8  }
0x14e: {  	p1 =	por p1, p2  }
0x14f: {  	p2 =	sne.s32 @!p1 s12, s7  }
0x150: {  	p1 =	por p1, !p2  }
0x151: {  	s0 =	sshll.u32 @p1 s11, $0x9  }
0x152: {  	s0 =	sand.u32 @!p1 $0xFFFF8, s12  }
0x153: {  	s2 =	sand.u32 @!p1 $0x7, s12;
	s0 =	sadd.s32 @!p1 s1, s0  }
0x154: {  	[tilespmem:s10], [sflag:$0x6] =	stream.linear.gather @!p1 [hbm4b:s0+s2], $0x80, $0x38;
	[tilespmem:$0x1F6F8] =	vst v63  }
0x155: {  	_ =	swait.ge @!p1 [sflag:s9], $0x80  }
0x156: {  	[sflag:s9] =	ssyncset.done @!p1 $0x0  }
0x157: {  	[sflag:s9] =	ssyncadd.s32 @!p1 $0xFFFFFF80  }
0x158: {  	v1 =	vld @!p1 [tilespmem:$0xF188];
	_ =	sdelay $0x2  }
0x159: {  	s0 =	sshll.u32 @!p1 s11, $0x9  }
0x15a: {  	s2 =	sshrl.u32 @!p1 s0, $0x2  }
0x15b: {  	[tilespmem:s2+$0xF238] =	vst.add.f32.msk @!p1 $0xffff, v1  }
0x15c: {  	v1 =	vld @!p1 [tilespmem:$0xF198];
	_ =	sdelay $0x4  }
0x15d: {  	[tilespmem:s2+$0xF248] =	vst.add.f32.msk @!p1 $0xffff, v1  }
0x15e: {  	v1 =	vld @!p1 [tilespmem:$0xF1A8];
	_ =	sdelay $0x4  }
0x15f: {  	[tilespmem:s2+$0xF258] =	vst.add.f32.msk @!p1 $0xffff, v1  }
0x160: {  	v1 =	vld @!p1 [tilespmem:$0xF1B8];
	_ =	sdelay $0x4  }
0x161: {  	[tilespmem:s2+$0xF268] =	vst.add.f32.msk @!p1 $0xffff, v1  }
0x162: {  	v1 =	vld @!p1 [tilespmem:$0xF1C8];
	_ =	sdelay $0x4  }
0x163: {  	[tilespmem:s2+$0xF278] =	vst.add.f32.msk @!p1 $0xffff, v1  }
0x164: {  	v1 =	vld @!p1 [tilespmem:$0xF1D8];
	_ =	sdelay $0x4  }
0x165: {  	[tilespmem:s2+$0xF288] =	vst.add.f32.msk @!p1 $0xffff, v1  }
0x166: {  	v1 =	vld @!p1 [tilespmem:$0xF1E8];
	_ =	sdelay $0x4  }
0x167: {  	[tilespmem:s2+$0xF298] =	vst.add.f32.msk @!p1 $0xffff, v1  }
0x168: {  	v1 =	vld @!p1 [tilespmem:$0xF1F8];
	_ =	sdelay $0x4  }
0x169: {  	[tilespmem:s2+$0xF2A8] =	vst.add.f32.msk @!p1 $0xffff, v1  }
0x16a: {  	s0 =	sshrl.u32 s0, $0x2;
	[tilespmem:s6+$0xF218] =	vst.msk $0x1, v0  }
0x16b: {  	v0 =	vld [tilespmem:s0+$0xF238];
	_ =	sdelay $0x2  }
0x16c: {  	s31 =	sshll.u32 s6, $0x9  }
0x16d: {  	s2 =	sshra.s32 s31, $0x2  }
0x16e: {  	[tilespmem:s2+$0xF238] =	vst v0  }
0x16f: {  	v0 =	vld [tilespmem:s0+$0xF248];
	_ =	sdelay $0x4  }
0x170: {  	[tilespmem:s2+$0xF248] =	vst v0  }
0x171: {  	v0 =	vld [tilespmem:s0+$0xF258];
	_ =	sdelay $0x4  }
0x172: {  	[tilespmem:s2+$0xF258] =	vst v0  }
0x173: {  	v0 =	vld [tilespmem:s0+$0xF268];
	_ =	sdelay $0x4  }
0x174: {  	[tilespmem:s2+$0xF268] =	vst v0  }
0x175: {  	v0 =	vld [tilespmem:s0+$0xF278];
	_ =	sdelay $0x4  }
0x176: {  	[tilespmem:s2+$0xF278] =	vst v0  }
0x177: {  	v0 =	vld [tilespmem:s0+$0xF288];
	_ =	sdelay $0x4  }
0x178: {  	[tilespmem:s2+$0xF288] =	vst v0  }
0x179: {  	v0 =	vld [tilespmem:s0+$0xF298];
	_ =	sdelay $0x4  }
0x17a: {  	[tilespmem:s2+$0xF298] =	vst v0  }
0x17b: {  	v0 =	vld [tilespmem:s0+$0xF2A8];
	_ =	sdelay $0x4  }
0x17c: {  	s6 =	sadd.s32 $0x1, s6;
	[tilespmem:s2+$0xF2A8] =	vst v0  }
.LBB2_33:
0x17d: {  	s11 =	sadd.s32 $0x1, s11  }
0x17e: {  	p1 =	sne.s32 s11, $0x20  }
.Ltmp20:
0x17f: {  	_ = 	snop;
	(pc) =	sbr.rel @!p1 .LBB2_34-.Ltmp20, $1  }
0x180: {  	_ =	sdelay $0x3  }
.LBB2_26:
0x181: {  	v0 =	vld.msk [tilespmem:s11+$0xF218], $0x1;
	_ =	sdelay $0x4  }
0x182: {  	(v2sf) =	vpush v0, $0x0;
	_ =	sdelay $0xe  }
0x183: {  	s12 =	spop (v2sf)  }
0x184: {  	p1 =	seq.s32 s12, $0xFFFFFFFF  }
.Ltmp21:
0x185: {  	_ = 	snop;
	(pc) =	sbr.rel @p1 .LBB2_33-.Ltmp21, $1  }
0x186: {  	_ =	sdelay $0x3  }
0x187: {  	p1 =	slt.s32 s6, $0x1  }
.Ltmp22:
0x188: {  	_ = 	snop;
	(pc) =	sbr.rel @p1 .LBB2_32-.Ltmp22, $1  }
0x189: {  	_ =	sdelay $0x3  }
0x18a: {  	s13 =	simm.s32 $0xF218;
	p1 =	por $0x0, $0x0  }
0x18b: {  	v1 =	vld.msk @!p1 [tilespmem:s13+$0x0], $0x1;
	_ =	sdelay $0x4  }
0x18c: {  	(v2sf) =	vpush @!p1 v1, $0x0;
	_ =	sdelay $0xd  }
0x18d: {  	p3 =	sne.s32 s6, $0x1  }
.Ltmp23:
0x18e: {  	s0 =	spop @!p1 (v2sf);
	(pc) =	sbr.rel @!p3 .LBB2_30-.Ltmp23, $4  }
0x18f: {  	p2 =	seq.s32 @!p1 s12, s0  }
0x190: {  	s14 =	simm.s32 $0x0;
	p2 =	por !p2, p1  }
0x191: {  	s2 =	simm.s32 $0xFFFFFFFF;
	s14 =	simm.s32 @p2 $0xFFFFFFFF  }
0x192: {  	s0 =	simm.s32 $0x1;
	s14 =	smov.u32 @p1 s2  }
.LBB2_29:
0x193: {  	s2 =	smov.u32 s14;
	p1 =	sne.s32 s14, $0xFFFFFFFF  }
0x194: {  	s13 =	sadd.s32 $0x1, s13;
	s14 =	smov.u32 s0;
	s0 =	sadd.s32 $0x1, s0  }
0x195: {  	p2 =	sne.s32 s6, s0;
	v1 =	vld.msk @!p1 [tilespmem:s13+$0x0], $0x1;
	_ =	sdelay $0x4  }
0x196: {  	(v2sf) =	vpush @!p1 v1, $0x0;
	_ =	sdelay $0xe  }
.Ltmp24:
0x197: {  	s3 =	spop @!p1 (v2sf);
	(pc) =	sbr.rel @p2 .LBB2_29-.Ltmp24, $4  }
0x198: {  	p3 =	seq.s32 @!p1 s12, s3  }
0x199: {  	p3 =	por !p3, p1  }
0x19a: {  	s14 =	simm.s32 @p3 $0xFFFFFFFF  }
0x19b: {  	s14 =	smov.u32 @p1 s2  }
.LBB2_30:
0x19c: {  	p1 =	seq.s32 s14, $0xFFFFFFFF  }
.Ltmp25:
0x19d: {  	_ = 	snop;
	(pc) =	sbr.rel @p1 .LBB2_32-.Ltmp25, $1  }
0x19e: {  	_ =	sdelay $0x3  }
0x19f: {  	s0 =	sshll.u32 s11, $0x7  }
0x1a0: {  	s0 =	sand.u32 $0x3FFFFF80, s0  }
0x1a1: {  	v0 =	vld [tilespmem:s0+$0xF238];
	_ =	sdelay $0x2  }
0x1a2: {  	s2 =	sshll.u32 s14, $0x9  }
0x1a3: {  	s2 =	sshra.s32 s2, $0x2  }
0x1a4: {  	[tilespmem:s2+$0xF238] =	vst.add.f32.msk $0xffff, v0  }
0x1a5: {  	v0 =	vld [tilespmem:s0+$0xF248];
	_ =	sdelay $0x4  }
0x1a6: {  	[tilespmem:s2+$0xF248] =	vst.add.f32.msk $0xffff, v0  }
0x1a7: {  	v0 =	vld [tilespmem:s0+$0xF258];
	_ =	sdelay $0x4  }
0x1a8: {  	[tilespmem:s2+$0xF258] =	vst.add.f32.msk $0xffff, v0  }
0x1a9: {  	v0 =	vld [tilespmem:s0+$0xF268];
	_ =	sdelay $0x4  }
0x1aa: {  	[tilespmem:s2+$0xF268] =	vst.add.f32.msk $0xffff, v0  }
0x1ab: {  	v0 =	vld [tilespmem:s0+$0xF278];
	_ =	sdelay $0x4  }
0x1ac: {  	[tilespmem:s2+$0xF278] =	vst.add.f32.msk $0xffff, v0  }
0x1ad: {  	v0 =	vld [tilespmem:s0+$0xF288];
	_ =	sdelay $0x4  }
0x1ae: {  	[tilespmem:s2+$0xF288] =	vst.add.f32.msk $0xffff, v0  }
0x1af: {  	v0 =	vld [tilespmem:s0+$0xF298];
	_ =	sdelay $0x4  }
0x1b0: {  	[tilespmem:s2+$0xF298] =	vst.add.f32.msk $0xffff, v0  }
0x1b1: {  	v0 =	vld [tilespmem:s0+$0xF2A8]  }
.Ltmp26:
0x1b2: {  	_ = 	snop;
	(pc) =	sbr.rel .LBB2_33-.Ltmp26, $2  }
0x1b3: {  	_ =	sdelay $0x2  }
0x1b4: {  	[tilespmem:s2+$0xF2A8] =	vst.add.f32.msk $0xffff, v0  }
.LBB2_34:
0x1b5: {  	s0 =	simm.s32 $0x6;
	p1 =	seq.s32 s6, $0x0  }
0x1b6: {  	[sflag:s0] =	ssyncpa.u1 $0x1;
	v0 =	vimm.s32 @p1 $0xFFFFFFFF  }
0x1b7: {  	s9 =	sadd.s32 $0xFFFFFFFF, s6;
	[tilespmem:$0x10238] =	vst @p1 v0  }
0x1b8: {  	v0 =	vld.msk @!p1 [tilespmem:s9+$0xF218], $0x1;
	_ =	sdelay $0x1  }
0x1b9: {  	v1 =	vld.msk @!p1 [tilespmem:$0xF218], $0x1;
	_ =	sdelay $0x2  }
0x1ba: {  	p2 =	seq.s32 @!p1 s9, $0x0;
	v0 =	vbroadcast @!p1 v0, $0x0  }
0x1bb: {  	vm0 =	vmmov @!p1 $0x1;
	p2 =	por !p2, p1  }
0x1bc: {  	v1 =	vnsel @!p1 vm0, $0xFFFFFFFF, v1;
	vm0 =	vcmask @!p1 $0x308;
	v0 =	vpsel !p2, $0xFFFFFFFF, v0  }
0x1bd: {  	p2 =	sne.s32 @!p1 s8, s7;
	v0 =	vsel @!p1 vm0, v1, v0  }
0x1be: {  	s0 =	simm.s32 @!p1 $0xF238;
	s2 =	simm.s32 @!p1 $0x0;
	p3 =	por !p2, p1;
	[tilespmem:$0x10238] =	vst @!p1 v0  }
0x1bf: {  	[spmem:s2] =	stream.linear.scatter @!p1 [tilespmem:s0], [sflag:$0x1], $0x80, $0x38;
	[tilespmem:$0x1F6F8] =	vst v63  }
0x1c0: {  	s0 =	sshll.u32 @!p3 s9, $0x9  }
0x1c1: {  	s0 =	sshra.s32 @!p3 s0, $0x2  }
0x1c2: {  	s2 =	simm.s32 @!p3 $0x80;
	s0 =	sadd.s32 @!p3 $0xF238, s0  }
0x1c3: {  	[spmem:s2] =	stream.linear.scatter @!p3 [tilespmem:s0], [sflag:$0x1], $0x80, $0x38;
	[tilespmem:$0x1F6F8] =	vst v63  }
0x1c4: {  	s0 =	simm.s32 @!p3 $0x1  }
0x1c5: {  	_ =	swait.ge @!p3 [sflag:s0], $0x100  }
0x1c6: {  	p1 =	por p2, p1;
	[sflag:s0] =	ssyncset.done @!p3 $0x0  }
0x1c7: {  	[sflag:s0] =	ssyncadd.s32 @!p3 $0xFFFFFF00;
	s0 =	simm.s32 @!p1 $0x1  }
0x1c8: {  	_ =	swait.ge @!p1 [sflag:s0], $0x80  }
0x1c9: {  	s29 =	simm.s32 $0x10238;
	[sflag:s0] =	ssyncset.done @!p1 $0x0  }
0x1ca: {  	s30 =	simm.s32 $0x1000;
	s31 =	simm.s32 $0x1;
	[sflag:s0] =	ssyncadd.s32 @!p1 $0xFFFFFF80  }
0x1cb: {  	[spmem:s30] =	stream.linear.scatter [tilespmem:s29], [sflag:$0x1], $0x10, $0x38;
	[tilespmem:$0x1F6F8] =	vst v63  }
0x1cc: {  	_ =	swait.ge [sflag:s31], $0x10  }
0x1cd: {  	[sflag:s31] =	ssyncset.done $0x0  }
0x1ce: {  	p1 =	seq.s32 s15, $0x0;
	s8 =	rddreg [dreg:$0x1];
	[sflag:s31] =	ssyncadd.s32 $0xFFFFFFF0  }
0x1cf: {  	s2 =	sshll.u32 @p1 s8, $0xE;
	s7 =	rddreg [dreg:$0x2]  }
0x1d0: {  	s0 =	sadd.s32 @p1 $0x15C3C, s2;
	s2 =	sshll.u32 @p1 s7, $0x11  }
0x1d1: {  	_ =	sfence.stream.spmem;
	s0 =	sor.u32 @p1 s2, s0  }
0x1d2: {  	[sflag:s0] =	ssyncadd.remote.s32 @p1 $0x1;
	s0 =	simm.s32 @p1 $0x4  }
0x1d3: {  	s3 =	simm.s32 @!p1 $0x3C;
	s2 =	sand.u32 $0xFFFFFFFE, s8;
	_ =	swait.ge @p1 [sflag:s0], $0x22  }
0x1d4: {  	s4 =	simm.s32 @!p1 $0x0;
	s2 =	sadd.s32 @!p1 $0x4, s2;
	[sflag:s0] =	ssyncset.done @p1 $0x0  }
0x1d5: {  	s5 =	simm.s32 @!p1 $0x100;
	[sflag:s0] =	ssyncadd.s32 @p1 $0xFFFFFFDE;
	s0 =	sshll.u32 @!p1 s2, $0x1A  }
0x1d6: {  	s2 =	sshll.u32 @!p1 s2, $0xD;
	s0 =	sor.u32 @!p1 s0, s7;
	_ =	swait.eq @!p1 [sflag:s3], $0x1  }
0x1d7: {  	s2 =	sor.u32 @!p1 $0x1C04, s2;
	s3 =	simm.s32 @!p1 $0x1C03;
	s0 =	sor.u32 @!p1 $0x80004000, s0  }
0x1d8: {  	[spmem:s5], [sflag:s2] =	dma.general @!p1 [spmem:s4], [sflag:s3], length:$0x20, [dreg:$0x0], stride_count:$0x0, ici_dest:s0, dma_misc:DstOpCode:WRITE  }
0x1d9: {  	p2 =	slt.s32 s9, $0x2;
	s4 =	simm.s32 @!p1 $0x200;
	s5 =	simm.s32 @!p1 $0x202  }
0x1da: {  	[spmem:s5], [sflag:s2] =	dma.general @!p1 [spmem:s4], [sflag:s3], length:$0x2, [dreg:$0x0], stride_count:$0x0, ici_dest:s0, dma_misc:DstOpCode:WRITE  }
.Ltmp27:
0x1db: {  	s0 =	simm.s32 @!p1 $0x3;
	(pc) =	sbr.rel @p2 .LBB2_38-.Ltmp27, $4  }
0x1dc: {  	s2 =	sshll.u32 @!p1 s8, $0xE;
	_ =	swait.ge @!p1 [sflag:s0], $0x22  }
0x1dd: {  	s3 =	sshll.u32 @!p1 s7, $0x11;
	s2 =	sadd.s32 @!p1 $0x11C3C, s2;
	[sflag:s0] =	ssyncset.done @!p1 $0x0  }
0x1de: {  	[sflag:s0] =	ssyncadd.s32 @!p1 $0xFFFFFFDE;
	s0 =	sor.u32 @!p1 s3, s2  }
0x1df: {  	[sflag:s0] =	ssyncadd.remote.s32 @!p1 $0xFFFFFFFF;
	s0 =	simm.s32 $0x0  }
0x1e0: {  	s0 =	simm.s32 $0xF219  }
0x1e1: {  	v0 =	vld.msk [tilespmem:s0+$0x0], $0x1;
	_ =	sdelay $0x4  }
0x1e2: {  	(v2sf) =	vpush v0, $0x0;
	_ =	sdelay $0xb  }
0x1e3: {  	s31 =	sadd.s32 $0xFFFFFFFE, s6  }
0x1e4: {  	s0 =	sadd.s32 $0xFFFFFFFF, s31  }
0x1e5: {  	p2 =	sne.s32 s0, $0x0  }
.Ltmp28:
0x1e6: {  	s2 =	spop (v2sf);
	(pc) =	sbr.rel @!p2 .LBB2_37-.Ltmp28, $4  }
0x1e7: {  	s4 =	simm.s32 $0xF2B8;
	s7 =	simm.s32 $0x0;
	p1 =	sgt.u32 s2, $0xFFFF0  }
0x1e8: {  	s5 =	simm.s32 $0x0;
	s6 =	simm.s32 $0xF21A;
	s3 =	sand.u32 @!p1 $0xFFFF8, s2  }
0x1e9: {  	s2 =	sand.u32 @!p1 $0x7, s2;
	s7 =	simm.s32 @!p1 $0x200;
	s3 =	sadd.s32 @!p1 s1, s3  }
0x1ea: {  	[hbm4b:s3+s2] =	stream.linear.scatter @!p1 [tilespmem:s4], [sflag:$0x5], $0x80, $0x38;
	[tilespmem:$0x1F6F8] =	vst v63  }
.LBB2_36:
0x1eb: {  	v0 =	vld.msk [tilespmem:s6+$0x0], $0x1;
	s0 =	sadd.s32 $0xFFFFFFFF, s0;
	s5 =	sadd.s32 s5, s7  }
0x1ec: {  	p1 =	sne.s32 s0, $0x0;
	_ =	sdelay $0x3  }
0x1ed: {  	(v2sf) =	vpush v0, $0x0;
	_ =	sdelay $0xe  }
.Ltmp29:
0x1ee: {  	s2 =	spop (v2sf);
	(pc) =	sbr.rel @p1 .LBB2_36-.Ltmp29, $4  }
0x1ef: {  	s7 =	simm.s32 $0x0;
	p2 =	sgt.u32 s2, $0xFFFF0  }
0x1f0: {  	s4 =	sadd.s32 $0x80, s4;
	s7 =	simm.s32 @!p2 $0x200;
	s3 =	sand.u32 @!p2 $0xFFFF8, s2  }
0x1f1: {  	s6 =	sadd.s32 $0x1, s6;
	s2 =	sand.u32 @!p2 $0x7, s2;
	s3 =	sadd.s32 @!p2 s1, s3  }
0x1f2: {  	[hbm4b:s3+s2] =	stream.linear.scatter @!p2 [tilespmem:s4], [sflag:$0x5], $0x80, $0x38;
	[tilespmem:$0x1F6F8] =	vst v63  }
.LBB2_37:
0x1f3: {  	s0 =	sadd.s32 s5, s7  }
0x1f4: {  	s0 =	sshrl.u32 s0, $0x2  }
.LBB2_38:
0x1f5: {  	s2 =	simm.s32 $0x5  }
0x1f6: {  	_ =	swait.ge [sflag:s2], s0  }
0x1f7: {  	s31 =	ssub.s32 $0x0, s0;
	[sflag:s2] =	ssyncset.done $0x0  }
0x1f8: {  	[sflag:s2] =	ssyncadd.s32 s31  }
0x1f9: {  	[sflag:s2] =	ssyncpa.u1 $0x1  }
.LBB2_39:
0x1fa: {  	s0 =	sor.u32 s15, s16  }
0x1fb: {  	p1 =	sne.s32 s0, $0x0  }
.Ltmp30:
0x1fc: {  	_ = 	snop;
	(pc) =	sbr.rel @p1 .LBB2_54-.Ltmp30, $3  }
0x1fd: {  	_ =	sdelay $0x1  }
0x1fe: {  	[bflag:$0x0] =	sbarrier.arrive $0xFFFF  }
0x1ff: {  	_ =	sfence  }
0x200: {  	s0 =	simm.s32 $0x7  }
0x201: {  	s2 =	simm.s32 $0x1000;
	s3 =	simm.s32 $0xF218;
	[sflag:s0] =	ssyncpa.u1 $0x0  }
0x202: {  	[tilespmem:s3], [sflag:$0x7] =	stream.linear.gather [spmem:s2], $0x20, $0x38;
	[tilespmem:$0x1F6F8] =	vst v63  }
0x203: {  	s30 =	simm.s32 $0xF238;
	s2 =	simm.s32 $0x0  }
0x204: {  	[tilespmem:s30], [sflag:$0x7] =	stream.linear.gather [spmem:s2], $0x1000, $0x38;
	[tilespmem:$0x1F6F8] =	vst v63  }
.Ltmp31:
0x205: {  	_ = 	snop;
	(pc) =	sbr.rel .LBB2_41-.Ltmp31, $4  }
0x206: {  	_ =	swait.ge [sflag:s0], $0x1020  }
0x207: {  	[sflag:s0] =	ssyncset.done $0x0  }
0x208: {  	s31 =	simm.s32 $0x8;
	[sflag:s0] =	ssyncadd.s32 $0xFFFFEFE0  }
0x209: {  	s3 =	simm.s32 $0x0;
	[sflag:s31] =	ssyncpa.u1 $0x0  }
.LBB2_47:
0x20a: {  	p1 =	slt.u32 s4, $0xFFFF1  }
0x20b: {  	s0 =	sand.u32 @p1 $0xFFFF8, s4  }
0x20c: {  	s4 =	sand.u32 @p1 $0x7, s4;
	s5 =	simm.s32 @p1 $0xF188;
	s0 =	sadd.s32 @p1 s1, s0  }
0x20d: {  	[tilespmem:s5], [sflag:$0x8] =	stream.linear.gather @p1 [hbm4b:s0+s4], $0x80, $0x38;
	[tilespmem:$0x1F6F8] =	vst v63  }
0x20e: {  	s0 =	simm.s32 @p1 $0x8  }
0x20f: {  	_ =	swait.ge @p1 [sflag:s0], $0x80  }
0x210: {  	[sflag:s0] =	ssyncset.done @p1 $0x0  }
0x211: {  	[sflag:s0] =	ssyncadd.s32 @p1 $0xFFFFFF80  }
0x212: {  	v1 =	vld @p1 [tilespmem:$0xF188];
	_ =	sdelay $0x2  }
0x213: {  	s0 =	sshll.u32 @p1 s3, $0x9  }
0x214: {  	s4 =	sshrl.u32 @p1 s0, $0x2  }
0x215: {  	[tilespmem:s4+$0xF238] =	vst.add.f32.msk @p1 $0xffff, v1  }
0x216: {  	v1 =	vld @p1 [tilespmem:$0xF198];
	_ =	sdelay $0x4  }
0x217: {  	[tilespmem:s4+$0xF248] =	vst.add.f32.msk @p1 $0xffff, v1  }
0x218: {  	v1 =	vld @p1 [tilespmem:$0xF1A8];
	_ =	sdelay $0x4  }
0x219: {  	[tilespmem:s4+$0xF258] =	vst.add.f32.msk @p1 $0xffff, v1  }
0x21a: {  	v1 =	vld @p1 [tilespmem:$0xF1B8];
	_ =	sdelay $0x4  }
0x21b: {  	[tilespmem:s4+$0xF268] =	vst.add.f32.msk @p1 $0xffff, v1  }
0x21c: {  	v1 =	vld @p1 [tilespmem:$0xF1C8];
	_ =	sdelay $0x4  }
0x21d: {  	[tilespmem:s4+$0xF278] =	vst.add.f32.msk @p1 $0xffff, v1  }
0x21e: {  	v1 =	vld @p1 [tilespmem:$0xF1D8];
	_ =	sdelay $0x4  }
0x21f: {  	[tilespmem:s4+$0xF288] =	vst.add.f32.msk @p1 $0xffff, v1  }
0x220: {  	v1 =	vld @p1 [tilespmem:$0xF1E8];
	_ =	sdelay $0x4  }
0x221: {  	[tilespmem:s4+$0xF298] =	vst.add.f32.msk @p1 $0xffff, v1  }
0x222: {  	v1 =	vld @p1 [tilespmem:$0xF1F8];
	_ =	sdelay $0x3  }
0x223: {  	s5 =	sshll.u32 @!p1 s3, $0x9  }
0x224: {  	s5 =	smov.u32 @p1 s0;
	[tilespmem:s4+$0xF2A8] =	vst.add.f32.msk @p1 $0xffff, v1  }
0x225: {  	s0 =	sshrl.u32 s5, $0x2;
	[tilespmem:s2+$0xF218] =	vst.msk $0x1, v0  }
0x226: {  	v0 =	vld [tilespmem:s0+$0xF238];
	_ =	sdelay $0x2  }
0x227: {  	s31 =	sshll.u32 s2, $0x9  }
0x228: {  	s4 =	sshra.s32 s31, $0x2  }
0x229: {  	[tilespmem:s4+$0xF238] =	vst v0  }
0x22a: {  	v0 =	vld [tilespmem:s0+$0xF248];
	_ =	sdelay $0x4  }
0x22b: {  	[tilespmem:s4+$0xF248] =	vst v0  }
0x22c: {  	v0 =	vld [tilespmem:s0+$0xF258];
	_ =	sdelay $0x4  }
0x22d: {  	[tilespmem:s4+$0xF258] =	vst v0  }
0x22e: {  	v0 =	vld [tilespmem:s0+$0xF268];
	_ =	sdelay $0x4  }
0x22f: {  	[tilespmem:s4+$0xF268] =	vst v0  }
0x230: {  	v0 =	vld [tilespmem:s0+$0xF278];
	_ =	sdelay $0x4  }
0x231: {  	[tilespmem:s4+$0xF278] =	vst v0  }
0x232: {  	v0 =	vld [tilespmem:s0+$0xF288];
	_ =	sdelay $0x4  }
0x233: {  	[tilespmem:s4+$0xF288] =	vst v0  }
0x234: {  	v0 =	vld [tilespmem:s0+$0xF298];
	_ =	sdelay $0x4  }
0x235: {  	[tilespmem:s4+$0xF298] =	vst v0  }
0x236: {  	v0 =	vld [tilespmem:s0+$0xF2A8];
	_ =	sdelay $0x4  }
0x237: {  	s2 =	sadd.s32 $0x1, s2;
	[tilespmem:s4+$0xF2A8] =	vst v0  }
.LBB2_48:
0x238: {  	s3 =	sadd.s32 $0x1, s3  }
0x239: {  	p1 =	sne.s32 s3, $0x20  }
.Ltmp32:
0x23a: {  	_ = 	snop;
	(pc) =	sbr.rel @!p1 .LBB2_49-.Ltmp32, $1  }
0x23b: {  	_ =	sdelay $0x3  }
.LBB2_41:
0x23c: {  	v0 =	vld.msk [tilespmem:s3+$0xF218], $0x1;
	_ =	sdelay $0x4  }
0x23d: {  	(v2sf) =	vpush v0, $0x0;
	_ =	sdelay $0xe  }
0x23e: {  	s4 =	spop (v2sf)  }
0x23f: {  	p1 =	seq.s32 s4, $0xFFFFFFFF  }
.Ltmp33:
0x240: {  	_ = 	snop;
	(pc) =	sbr.rel @p1 .LBB2_48-.Ltmp33, $1  }
0x241: {  	_ =	sdelay $0x3  }
0x242: {  	p1 =	slt.s32 s2, $0x1  }
.Ltmp34:
0x243: {  	_ = 	snop;
	(pc) =	sbr.rel @p1 .LBB2_47-.Ltmp34, $1  }
0x244: {  	_ =	sdelay $0x3  }
0x245: {  	s5 =	simm.s32 $0xF218;
	p1 =	por $0x0, $0x0  }
0x246: {  	v1 =	vld.msk @!p1 [tilespmem:s5+$0x0], $0x1;
	_ =	sdelay $0x4  }
0x247: {  	(v2sf) =	vpush @!p1 v1, $0x0;
	_ =	sdelay $0xd  }
0x248: {  	p3 =	sne.s32 s2, $0x1  }
.Ltmp35:
0x249: {  	s0 =	spop @!p1 (v2sf);
	(pc) =	sbr.rel @!p3 .LBB2_45-.Ltmp35, $4  }
0x24a: {  	p2 =	seq.s32 @!p1 s4, s0  }
0x24b: {  	s6 =	simm.s32 $0x0;
	p2 =	por !p2, p1  }
0x24c: {  	s7 =	simm.s32 $0xFFFFFFFF;
	s6 =	simm.s32 @p2 $0xFFFFFFFF  }
0x24d: {  	s0 =	simm.s32 $0x1;
	s6 =	smov.u32 @p1 s7  }
.LBB2_44:
0x24e: {  	s7 =	smov.u32 s6;
	p1 =	sne.s32 s6, $0xFFFFFFFF  }
0x24f: {  	s5 =	sadd.s32 $0x1, s5;
	s6 =	smov.u32 s0;
	s0 =	sadd.s32 $0x1, s0  }
0x250: {  	p2 =	sne.s32 s2, s0;
	v1 =	vld.msk @!p1 [tilespmem:s5+$0x0], $0x1;
	_ =	sdelay $0x4  }
0x251: {  	(v2sf) =	vpush @!p1 v1, $0x0;
	_ =	sdelay $0xe  }
.Ltmp36:
0x252: {  	s8 =	spop @!p1 (v2sf);
	(pc) =	sbr.rel @p2 .LBB2_44-.Ltmp36, $4  }
0x253: {  	p3 =	seq.s32 @!p1 s4, s8  }
0x254: {  	p3 =	por !p3, p1  }
0x255: {  	s6 =	simm.s32 @p3 $0xFFFFFFFF  }
0x256: {  	s6 =	smov.u32 @p1 s7  }
.LBB2_45:
0x257: {  	p1 =	seq.s32 s6, $0xFFFFFFFF  }
.Ltmp37:
0x258: {  	_ = 	snop;
	(pc) =	sbr.rel @p1 .LBB2_47-.Ltmp37, $1  }
0x259: {  	_ =	sdelay $0x3  }
0x25a: {  	s0 =	sshll.u32 s3, $0x7  }
0x25b: {  	s0 =	sand.u32 $0x3FFFFF80, s0  }
0x25c: {  	v0 =	vld [tilespmem:s0+$0xF238];
	_ =	sdelay $0x2  }
0x25d: {  	s4 =	sshll.u32 s6, $0x9  }
0x25e: {  	s4 =	sshra.s32 s4, $0x2  }
0x25f: {  	[tilespmem:s4+$0xF238] =	vst.add.f32.msk $0xffff, v0  }
0x260: {  	v0 =	vld [tilespmem:s0+$0xF248];
	_ =	sdelay $0x4  }
0x261: {  	[tilespmem:s4+$0xF248] =	vst.add.f32.msk $0xffff, v0  }
0x262: {  	v0 =	vld [tilespmem:s0+$0xF258];
	_ =	sdelay $0x4  }
0x263: {  	[tilespmem:s4+$0xF258] =	vst.add.f32.msk $0xffff, v0  }
0x264: {  	v0 =	vld [tilespmem:s0+$0xF268];
	_ =	sdelay $0x4  }
0x265: {  	[tilespmem:s4+$0xF268] =	vst.add.f32.msk $0xffff, v0  }
0x266: {  	v0 =	vld [tilespmem:s0+$0xF278];
	_ =	sdelay $0x4  }
0x267: {  	[tilespmem:s4+$0xF278] =	vst.add.f32.msk $0xffff, v0  }
0x268: {  	v0 =	vld [tilespmem:s0+$0xF288];
	_ =	sdelay $0x4  }
0x269: {  	[tilespmem:s4+$0xF288] =	vst.add.f32.msk $0xffff, v0  }
0x26a: {  	v0 =	vld [tilespmem:s0+$0xF298];
	_ =	sdelay $0x4  }
0x26b: {  	[tilespmem:s4+$0xF298] =	vst.add.f32.msk $0xffff, v0  }
0x26c: {  	v0 =	vld [tilespmem:s0+$0xF2A8]  }
.Ltmp38:
0x26d: {  	_ = 	snop;
	(pc) =	sbr.rel .LBB2_48-.Ltmp38, $2  }
0x26e: {  	_ =	sdelay $0x2  }
0x26f: {  	[tilespmem:s4+$0xF2A8] =	vst.add.f32.msk $0xffff, v0  }
.LBB2_49:
0x270: {  	p1 =	slt.s32 s2, $0x1  }
.Ltmp39:
0x271: {  	_ = 	snop;
	(pc) =	sbr.rel @p1 .LBB2_53-.Ltmp39, $3  }
0x272: {  	_ =	sdelay $0x1  }
0x273: {  	s0 =	simm.s32 $0x8  }
0x274: {  	s3 =	simm.s32 $0x0;
	[sflag:s0] =	ssyncpa.u1 $0x1  }
0x275: {  	s0 =	simm.s32 $0xF218  }
0x276: {  	v0 =	vld.msk [tilespmem:s0+$0x0], $0x1;
	_ =	sdelay $0x4  }
0x277: {  	(v2sf) =	vpush v0, $0x0;
	_ =	sdelay $0xe  }
0x278: {  	s0 =	sadd.s32 $0xFFFFFFFF, s2;
	s5 =	spop (v2sf)  }
0x279: {  	p2 =	sne.s32 s0, $0x0;
	p1 =	sgt.u32 s5, $0xFFFF0  }
.Ltmp40:
0x27a: {  	s6 =	sand.u32 @!p1 $0xFFFF8, s5;
	(pc) =	sbr.rel @!p2 .LBB2_52-.Ltmp40, $4  }
0x27b: {  	s4 =	simm.s32 $0xF238;
	s5 =	sand.u32 @!p1 $0x7, s5;
	s2 =	sadd.s32 @!p1 s1, s6  }
0x27c: {  	[hbm4b:s2+s5] =	stream.linear.scatter @!p1 [tilespmem:s4], [sflag:$0x7], $0x80, $0x38;
	[tilespmem:$0x1F6F8] =	vst v63  }
0x27d: {  	s5 =	simm.s32 $0x0  }
0x27e: {  	s2 =	simm.s32 $0xF219;
	s5 =	simm.s32 @!p1 $0x200  }
.LBB2_51:
0x27f: {  	v0 =	vld.msk [tilespmem:s2+$0x0], $0x1;
	s0 =	sadd.s32 $0xFFFFFFFF, s0;
	s3 =	sadd.s32 s3, s5  }
0x280: {  	p1 =	sne.s32 s0, $0x0;
	_ =	sdelay $0x3  }
0x281: {  	(v2sf) =	vpush v0, $0x0;
	_ =	sdelay $0xe  }
.Ltmp41:
0x282: {  	s6 =	spop (v2sf);
	(pc) =	sbr.rel @p1 .LBB2_51-.Ltmp41, $4  }
0x283: {  	s5 =	simm.s32 $0x0;
	p2 =	sgt.u32 s6, $0xFFFF0  }
0x284: {  	s4 =	sadd.s32 $0x80, s4;
	s5 =	simm.s32 @!p2 $0x200;
	s7 =	sand.u32 @!p2 $0xFFFF8, s6  }
0x285: {  	s2 =	sadd.s32 $0x1, s2;
	s6 =	sand.u32 @!p2 $0x7, s6;
	s7 =	sadd.s32 @!p2 s1, s7  }
0x286: {  	[hbm4b:s7+s6] =	stream.linear.scatter @!p2 [tilespmem:s4], [sflag:$0x7], $0x80, $0x38;
	[tilespmem:$0x1F6F8] =	vst v63  }
.LBB2_52:
0x287: {  	s0 =	sadd.s32 s3, s5  }
0x288: {  	s3 =	sshrl.u32 s0, $0x2  }
.LBB2_53:
0x289: {  	s0 =	simm.s32 $0x7  }
0x28a: {  	_ =	swait.ge [sflag:s0], s3  }
0x28b: {  	s1 =	ssub.s32 $0x0, s3;
	[sflag:s0] =	ssyncset.done $0x0  }
0x28c: {  	[sflag:s0] =	ssyncadd.s32 s1  }
0x28d: {  	[sflag:s0] =	ssyncpa.u1 $0x1  }
.LBB2_54:
0x28e: {  	_ =	sfence;
	s0 =	simm.s32 $0x1  }
0x28f: {  	[sflag:s0] =	ssyncpa.u1 $0x1  }
0x290: {  	_ =	strace $0x90000050  }
0x291: {  	[bflag:$0x2] =	sbarrier.arrive $0xFFFF  }
0x292: {  	s0 =	rddreg [dreg:$0x3]  }
0x293: {  	s0 =	sadd.s32 @!p0 $0x100000, s0  }
0x294: {  	[sflag:s0] =	ssyncadd.tile.s32 @!p0 $0x1;
	_ =	shalt  }
.Lfunc_end2:
_tile_overlayer_lowered:
.L_overlay_start_2:
0x295: {  	(tag) =	ssettag $0x2  }
0x296: {  	s0 =	rddreg [dreg:$0x0];
	s2 =	stileid.u32  }
0x297: {  	s1 =	rddreg [dreg:$0x1];
	p0 =	sne.s32 s2, $0x0  }
0x298: {  	s3 =	rddreg [dreg:$0x2];
	[bflag:$0x3] =	sbarrier.arrive $0xFFFF;
	s2 =	simm.s32 @!p0 $0x1C01  }
0x299: {  	[timem:s3], [sflag:s2] =	dma.local @!p0 [hbm:s0], s1  }
0x29a: {  	s0 =	simm.s32 @!p0 $0x1  }
0x29b: {  	_ =	swait.ge @!p0 [sflag:s0], s1  }
0x29c: {  	s1 =	ssub.s32 @!p0 $0x0, s1;
	[sflag:s0] =	ssyncset.done @!p0 $0x0  }
0x29d: {  	[sflag:s0] =	ssyncadd.s32 @!p0 s1  }
0x29e: {  	[bflag:$0x3] =	sbarrier.arrive $0xFFFF  }
0x29f: {  	_ =	shalt  }

// kernel: scatter_offload_async_start
scs
__scs_entry_jumppad:
0x0: {  	(pc) =	sbr.rel $0x88, $3  }
0x1: {  	(tag) =	ssettag $0x0;
	lr =	simm.s32 $0x1  }
0x2: {  	[smem:$0x3F8B] =	sst lr;
	_ =	strace $0xD0000000  }
0x3: {  	_ = 	snop  }
0x4: {  	_ = 	snop  }
0x5: {  	_ = 	snop  }
0x6: {  	_ = 	snop  }
0x7: {  	_ = 	snop  }
__scs_overlays_trampoline_lowered:
0x8: {  	[smem:$0x3F9A] =	sst s0  }
0x9: {  	[smem:$0x3F9B] =	sst s1  }
0xa: {  	[smem:$0x3F9C] =	sst s2  }
0xb: {  	[smem:$0x3F9D] =	sst s3  }
0xc: {  	[smem:$0x3F9E] =	sst s4  }
0xd: {  	[smem:$0x3F9F] =	sst s5  }
0xe: {  	[smem:$0x3FA0] =	sst s6  }
0xf: {  	[smem:$0x3FA1] =	sst s7  }
0x10: {  	[smem:$0x3FA2] =	sst s8  }
0x11: {  	[smem:$0x3FA3] =	sst s9;
	s0 =	simm.s32 @!p0 $0x0  }
0x12: {  	s1 =	sld [smem:$0x3F89];
	s0 =	simm.s32 @p0 $0x1  }
0x13: {  	[smem:$0x3FA4] =	sst s0;
	s0 =	simm.s32 @!p1 $0x0  }
0x14: {  	s2 =	sld [smem:$0x3F88];
	s0 =	simm.s32 @p1 $0x1  }
0x15: {  	[smem:$0x3FA5] =	sst s0;
	s0 =	simm.s32 @!p2 $0x0  }
0x16: {  	s3 =	sld [smem:$0x3FDB];
	s0 =	simm.s32 @p2 $0x1  }
0x17: {  	s4 =	simm.s32 $0x1BF5;
	[smem:$0x3FA7] =	sst s0  }
0x18: {  	s0 =	sld [smem:$0x3F8A];
	_ =	swait.ge [sflag:s4], $0x0  }
0x19: {  	s7 =	sld [smem:$0x3F8B]  }
0x1a: {  	s8 =	sadd.s32 $0xFFFFE003, lr  }
0x1b: {  	s9 =	sadd.s32 $0xFFFFFEF7, lr;
	s5 =	simm.s32 $0xFFFFFFFF;
	p2 =	slt.u32 s8, $0xFFFFF086  }
0x1c: {  	p1 =	slt.u32 s9, $0xF7A;
	s5 =	simm.s32 @!p2 $0x0  }
0x1d: {  	s5 =	simm.s32 @p1 $0x1;
	p0 =	seq.s32 s7, s2  }
0x1e: {  	s7 =	smul.u32 @!p0 $0xF7A, s2;
	p2 =	seq.s32 @!p0 s5, $0x0  }
0x1f: {  	s9 =	smul.u32 $0xF7A, s1;
	s8 =	simm.s32 @!p0 $0x1BF5;
	p2 =	por !p2, p0  }
0x20: {  	[sflag:s8] =	ssyncset.s32 @!p0 $0xFFFFF086;
	s6 =	sadd.s32 @!p0 s3, s7;
	s7 =	simm.s32 @!p0 $0x108  }
0x21: {  	s3 =	sadd.s32 s3, s9;
	s6 =	sadd.s32 @!p0 $0x88, s6;
	s7 =	simm.s32 @p2 $0x1082  }
0x22: {  	[simem:s7], [sflag:s8] =	dma.local @!p0 [hbm:s6], $0xF7A  }
0x23: {  	s9 =	sor.u32 $0xD0000000, s2;
	s6 =	simm.s32 $0x108;
	_ =	swait.ge @!p0 [sflag:s8], $0x0  }
0x24: {  	s3 =	sadd.s32 $0x88, s3;
	s6 =	simm.s32 @!p1 $0x1082;
	[sflag:s4] =	ssyncset.s32 $0xFFFFF086  }
0x25: {  	[simem:s6], [sflag:s4] =	dma.local [hbm:s3], $0xF7A  }
0x26: {  	[smem:$0x3F8B] =	sst s1;
	(tag) =	ssettag s2;
	_ =	strace s9  }
0x27: {  	s1 =	sld [smem:$0x3F9B]  }
0x28: {  	s2 =	sld [smem:$0x3F9C]  }
0x29: {  	s4 =	sld [smem:$0x3F9E]  }
0x2a: {  	p0 =	seq.s32 s5, $0x0;
	s5 =	sld [smem:$0x3F9F]  }
0x2b: {  	s6 =	sld [smem:$0x3FA0]  }
0x2c: {  	s7 =	sld [smem:$0x3FA1]  }
0x2d: {  	s3 =	simm.s32 $0x108;
	s8 =	sld [smem:$0x3FA2]  }
0x2e: {  	s3 =	simm.s32 @!p0 $0x1082;
	s9 =	sld [smem:$0x3FA3]  }
0x2f: {  	lr =	sadd.s32 s0, s3;
	s0 =	sld [smem:$0x3F9A]  }
0x30: {  	s3 =	sld [smem:$0x3F9D]  }
0x31: {  	[smem:$0x3FA6] =	sst s10  }
0x32: {  	s10 =	sld [smem:$0x3FA4];
	_ =	sdelay $0x3  }
0x33: {  	p0 =	seq.s32 s10, $0x1;
	s10 =	sld [smem:$0x3FA6];
	_ =	sdelay $0x3  }
0x34: {  	[smem:$0x3FA6] =	sst s10  }
0x35: {  	s10 =	sld [smem:$0x3FA5];
	_ =	sdelay $0x3  }
0x36: {  	p1 =	seq.s32 s10, $0x1;
	s10 =	sld [smem:$0x3FA6];
	_ =	sdelay $0x3  }
0x37: {  	[smem:$0x3FA6] =	sst s10  }
0x38: {  	s10 =	sld [smem:$0x3FA7]  }
0x39: {  	_ = 	snop;
	(pc) =	sbr.ind lr, $3  }
0x3a: {  	_ = 	snop  }
0x3b: {  	_ = 	snop  }
0x3c: {  	p2 =	seq.s32 s10, $0x1;
	s10 =	sld [smem:$0x3FA6]  }
0x3d: {  	_ =	shalt  }
0x3e: {  	_ =	shalt  }
0x3f: {  	_ =	shalt  }
0x40: {  	_ =	shalt  }
0x41: {  	_ =	shalt  }
0x42: {  	_ =	shalt  }
0x43: {  	_ =	shalt  }
0x44: {  	_ =	shalt  }
0x45: {  	_ =	shalt  }
0x46: {  	_ =	shalt  }
0x47: {  	_ =	shalt  }
0x48: {  	_ =	shalt  }
0x49: {  	_ =	shalt  }
0x4a: {  	_ =	shalt  }
0x4b: {  	_ =	shalt  }
0x4c: {  	_ =	shalt  }
0x4d: {  	_ =	shalt  }
0x4e: {  	_ =	shalt  }
0x4f: {  	_ =	shalt  }
0x50: {  	_ =	shalt  }
0x51: {  	_ =	shalt  }
0x52: {  	_ =	shalt  }
0x53: {  	_ =	shalt  }
0x54: {  	_ =	shalt  }
0x55: {  	_ =	shalt  }
0x56: {  	_ =	shalt  }
0x57: {  	_ =	shalt  }
0x58: {  	_ =	shalt  }
0x59: {  	_ =	shalt  }
0x5a: {  	_ =	shalt  }
0x5b: {  	_ =	shalt  }
0x5c: {  	_ =	shalt  }
0x5d: {  	_ =	shalt  }
0x5e: {  	_ =	shalt  }
0x5f: {  	_ =	shalt  }
0x60: {  	_ =	shalt  }
0x61: {  	_ =	shalt  }
0x62: {  	_ =	shalt  }
0x63: {  	_ =	shalt  }
0x64: {  	_ =	shalt  }
0x65: {  	_ =	shalt  }
0x66: {  	_ =	shalt  }
0x67: {  	_ =	shalt  }
0x68: {  	_ =	shalt  }
0x69: {  	_ =	shalt  }
0x6a: {  	_ =	shalt  }
0x6b: {  	_ =	shalt  }
0x6c: {  	_ =	shalt  }
0x6d: {  	_ =	shalt  }
0x6e: {  	_ =	shalt  }
0x6f: {  	_ =	shalt  }
0x70: {  	_ =	shalt  }
0x71: {  	_ =	shalt  }
0x72: {  	_ =	shalt  }
0x73: {  	_ =	shalt  }
0x74: {  	_ =	shalt  }
0x75: {  	_ =	shalt  }
0x76: {  	_ =	shalt  }
0x77: {  	_ =	shalt  }
0x78: {  	_ =	shalt  }
0x79: {  	_ =	shalt  }
0x7a: {  	_ =	shalt  }
0x7b: {  	_ =	shalt  }
0x7c: {  	_ =	shalt  }
0x7d: {  	_ =	shalt  }
0x7e: {  	_ =	shalt  }
0x7f: {  	_ =	shalt  }
0x80: {  	_ =	shalt  }
0x81: {  	_ =	shalt  }
0x82: {  	_ =	shalt  }
0x83: {  	_ =	shalt  }
0x84: {  	_ =	shalt  }
0x85: {  	_ =	shalt  }
0x86: {  	_ =	shalt  }
0x87: {  	_ =	shalt  }
.Lfunc_end0:
.L_simem_size_0:
called_computation_lowered:
.L_overlay_start_0:
0x88: {  	s2 =	sld [smem:$0x3FD9]  }
0x89: {  	s3 =	sld [smem:$0x3FFE];
	_ =	sdelay $0x1  }
0x8a: {  	s1 =	srdreg.scid  }
0x8b: {  	s0 =	sand.u32 $0x1, s1  }
0x8c: {  	s15 =	sshll.u32 s0, $0xA;
	s2 =	sadd.s32 s3, s2  }
0x8d: {  	s2 =	sadd.s32 s2, s15  }
0x8e: {  	[smem:$0x3FB2] =	sst s2  }
0x8f: {  	_ = 	snop  }
0x90: {  	(tm) =	ssettm $0x1  }
0x91: {  	s16 =	sld [smem:$0x3FFB];
	_ =	sdelay $0x3  }
0x92: {  	_ =	strace s16  }
0x93: {  	s2 =	sld [smem:$0x3FFC];
	_ =	sdelay $0x3  }
0x94: {  	_ =	strace s2  }
0x95: {  	s2 =	sld [smem:$0x3FFD];
	_ =	sdelay $0x3  }
0x96: {  	_ =	strace s2  }
0x97: {  	_ =	strace $0x8FFFFFFF  }
0x98: {  	s17 =	sld [smem:$0x3FDB];
	_ =	sdelay $0x1  }
0x99: {  	s18 =	simm.s32 $_scs_section_size  }
0x9a: {  	s4 =	simm.s32 $_size__tile_overlayer_lowered;
	s5 =	simm.s32 $_tile_overlayer_lowered  }
0x9b: {  	s21 =	simm.s32 $0x1BFF;
	s20 =	sshll.u32 s5, $0x1;
	s2 =	sadd.s32 s18, s17  }
0x9c: {  	s6 =	simm.s32 $0x0;
	s19 =	sshll.u32 s4, $0x1;
	s4 =	sadd.s32 s20, s2  }
0x9d: {  	[timem:s6], [sflag:s21] =	dma.local [hbm:s4], s19  }
0x9e: {  	_ =	swait.ge [sflag:s21], s19  }
0x9f: {  	s3 =	ssub.s32 $0x0, s19;
	[sflag:s21] =	ssyncset.done $0x0  }
0xa0: {  	[sflag:s21] =	ssyncadd.s32 s3;
	_ =	sdelay $0x1  }
0xa1: {  	s22 =	simm.s32 $0x1B8B  }
0xa2: {  	_ =	swait.ge [sflag:s22], $0x1  }
0xa3: {  	[sflag:s22] =	ssyncset.done $0x0  }
0xa4: {  	s23 =	sld [smem:$0x3FFE];
	[sflag:s22] =	ssyncadd.s32 $0xFFFFFFFF  }
0xa5: {  	s25 =	simm.s32 $0x1B8E;
	s24 =	sld [smem:$0x0]  }
0xa6: {  	s26 =	simm.s32 $execute0_lowered;
	[smem:$0x3FD2] =	sst s25  }
0xa7: {  	s5 =	sshll.u32 s26, $0x1;
	_ =	strace $0x80000049;
	[dreg:$0x1] =	wrdreg $0xFFFFFFFF  }
0xa8: {  	s28 =	simm.s32 $_size_execute0_lowered;
	s2 =	sadd.s32 s2, s5;
	[dreg:$0x0] =	wrdreg $0x0  }
0xa9: {  	s5 =	sshll.u32 s28, $0x1;
	[dreg:$0x2] =	wrdreg s2  }
0xaa: {  	[dreg:$0x3] =	wrdreg s5  }
0xab: {  	[dreg:$0x4] =	wrdreg $0xC0  }
0xac: {  	_ =	task [dreg:s6], $0x5FFFF  }
0xad: {  	[dreg:$0x1] =	wrdreg $0xFFFFFFFF  }
0xae: {  	[dreg:$0x0] =	wrdreg $0x60  }
0xaf: {  	[dreg:$0x2] =	wrdreg s23  }
0xb0: {  	[dreg:$0x3] =	wrdreg s1  }
0xb1: {  	[dreg:$0x4] =	wrdreg s24  }
0xb2: {  	[dreg:$0x5] =	wrdreg $0x9  }
0xb3: {  	_ =	task.clear_ibuf [dreg:s6], $0x6FFFF;
	_ =	strace $0x90000049  }
0xb4: {  	s29 =	simm.s32 $0x9;
	_ =	strace $0x8000004B  }
0xb5: {  	_ =	swait.ge [sflag:s29], $0x1  }
0xb6: {  	[sflag:s29] =	ssyncadd.s32 $0xFFFFFFFF  }
0xb7: {  	_ =	strace $0x9000004B  }
0xb8: {  	_ =	sfence  }
0xb9: {  	s30 =	sld [smem:$0x0];
	_ =	sdelay $0x2  }
0xba: {  	s31 =	sshll.u32 s1, $0xD;
	s1 =	sshrl.u32 s1, $0x2  }
0xbb: {  	s3 =	sand.u32 $0x4000, s31;
	s1 =	sadd.s32 s1, s30  }
0xbc: {  	s0 =	sor.u32 s3, s0;
	s1 =	sshll.u32 s1, $0x11  }
0xbd: {  	s0 =	sor.u32 s1, s0  }
0xbe: {  	s0 =	sadd.s32 $0x8F2B, s0  }
0xbf: {  	[sflag:s0] =	ssyncadd.remote.s32 $0x1  }
0xc0: {  	_ =	sfence.sel $0xFFFF  }
0xc1: {  	[dreg:$0x0] =	wrdreg $0xFFFFFFFF;
	(pc) =	sbr.abs _section_cstart, $3  }
0xc2: {  	[dreg:$0x1] =	wrdreg $0xFFFFFFFF  }
0xc3: {  	_ =	task.clear_ibuf [dreg:s6], $0x2FFFF;
	_ =	strace $0x9FFFFFFF  }
0xc4: {  	(tm) =	ssettm $0x7FFFFFFF  }
0xc5: {  	_ =	shalt  }
tec
execute0_lowered:
.L_overlay_start_1:
0x0: {  	(tag) =	ssettag $0x1  }
0x1: {  	s0 =	rddreg [dreg:$0x0]  }
0x2: {  	s2 =	rddreg [dreg:$0x1];
	_ =	strace $0x8000004A;
	s1 =	simm.s32 $0x1  }
0x3: {  	s9 =	simm.s32 $0x108;
	v0 =	vimm.s32 $0x0;
	[sflag:s1] =	ssyncpa.u1 $0x0  }
0x4: {  	[tilespmem:s9+$0x70] =	vst v0  }
0x5: {  	[tilespmem:s9+$0x60] =	vst v0  }
0x6: {  	[tilespmem:s9+$0x50] =	vst v0  }
0x7: {  	[tilespmem:s9+$0x40] =	vst v0  }
0x8: {  	s1 =	sadd.s32 $0xE4F000, s0;
	s15 =	sadd.s32 $0x22F000, s0;
	[tilespmem:s9+$0x30] =	vst v0  }
0x9: {  	s6 =	sadd.s32 $0x124F000, s0;
	s2 =	sand.u32 $0x1, s2;
	s14 =	sadd.s32 $0x23F000, s0;
	[tilespmem:s9+$0x20] =	vst v0  }
0xa: {  	s0 =	simm.s32 $0x40;
	[dreg:$0x4] =	wrdreg s2;
	s16 =	sshll.u32 s2, $0xF;
	[tilespmem:s9+$0x10] =	vst v0  }
.LBB2_1:
0xb: {  	s0 =	sadd.s32 $0x40, s0;
	[tilespmem:s9+$0x0] =	vst v0;
	s9 =	sadd.s32 $0x80, s9  }
0xc: {  	p0 =	slt.u32 s0, $0x3C40;
	[tilespmem:s9+$0x70] =	vst v0  }
0xd: {  	[tilespmem:s9+$0x60] =	vst v0  }
.Ltmp0:
0xe: {  	[tilespmem:s9+$0x50] =	vst v0;
	(pc) =	sbr.rel @p0 .LBB2_1-.Ltmp0, $4  }
0xf: {  	[tilespmem:s9+$0x40] =	vst v0  }
0x10: {  	[tilespmem:s9+$0x30] =	vst v0  }
0x11: {  	[tilespmem:s9+$0x20] =	vst v0  }
0x12: {  	[tilespmem:s9+$0x10] =	vst v0  }
0x13: {  	s5 =	stileid.u32  }
0x14: {  	s0 =	smul.u32 $0x44, s5  }
0x15: {  	s2 =	smin.u32 s5, $0x5  }
0x16: {  	s0 =	sadd.s32 s2, s0  }
0x17: {  	p0 =	slt.u32 s5, $0x5;
	s7 =	smul.u32 $0xF0, s0;
	s0 =	simm.s32 $0x40B0  }
0x18: {  	s0 =	simm.s32 @!p0 $0x3FC0  }
0x19: {  	s0 =	sadd.s32 s0, s7  }
0x1a: {  	s8 =	smin.u32 s0, $0x40000  }
0x1b: {  	s0 =	ssub.s32 s8, s7  }
0x1c: {  	p0 =	sgt.s32 s0, $0x0  }
0x1d: {  	s0 =	simm.s32 @!p0 $0x0  }
0x1e: {  	s3 =	simm.s32 $0x2;
	s10 =	simm.s32 $0x9;
	s30 =	smulhi.u32 $0x88888889, s0  }
0x1f: {  	s4 =	simm.s32 $0xA;
	s11 =	simm.s32 $0xB;
	s12 =	simm.s32 $0x1  }
0x20: {  	s14 =	sadd.s32 s16, s14;
	s15 =	sadd.s32 s16, s15;
	s2 =	sshrl.u32 s30, $0x7  }
0x21: {  	s22 =	simm.s32 $0x0;
	s18 =	simm.s32 $0xC;
	s31 =	smul.u32 $0xF0, s2  }
.Ltmp1:
0x22: {  	[tilespmem:s9+$0x0] =	vst v0;
	v0 =	vimm.s32 $0xFFFFFFFF;
	s20 =	simm.s32 $0x0;
	[sflag:s3] =	ssyncpa.u1 $0x0;
	(pc) =	sbr.rel .LBB2_3-.Ltmp1, $4  }
0x23: {  	[tilespmem:$0xF208] =	vst v0;
	[sflag:s10] =	ssyncpa.u1 $0x0;
	p0 =	sne.s32 s0, s31;
	s0 =	simm.s32 $0x1  }
0x24: {  	s21 =	simm.s32 $0x0;
	[sflag:s4] =	ssyncpa.u1 $0x0;
	s0 =	simm.s32 @!p0 $0x0  }
0x25: {  	s16 =	sshll.u32 s5, $0x8;
	[sflag:s11] =	ssyncpa.u1 $0x0;
	s13 =	sadd.s32 s0, s2  }
0x26: {  	v0 =	vlaneseq.u32;
	s19 =	smov.u32 s7;
	p0 =	por $0x0, $0x0;
	s17 =	sadd.s32 $0x1, s13  }
.LBB2_18:
0x27: {  	s0 =	sshrl.u32 s31, $0x2  }
.LBB2_20:
0x28: {  	_ =	swait.ge [sflag:s18], s0  }
0x29: {  	s31 =	ssub.s32 $0x0, s0;
	v1 =	vmov s24;
	vm0 =	veq.s32 v0, $0x0;
	[sflag:s18] =	ssyncset.done $0x0  }
0x2a: {  	vm15 =	veq.s32 v0, $0x2;
	v1 =	vsel vm0, s30, v1;
	[sflag:s18] =	ssyncadd.s32 s31  }
0x2b: {  	v1 =	vsel vm15, s22, v1;
	[sflag:s18] =	ssyncpa.u1 $0x1  }
0x2c: {  	[tilespmem:$0xF208] =	vst v1  }
.LBB2_21:
0x2d: {  	s0 =	sadd.s32 $0xF0, s19  }
0x2e: {  	s2 =	smov.u32 s7;
	p1 =	slt.s32 s0, s8  }
0x2f: {  	s2 =	smov.u32 @p1 s0;
	p1 =	sne.s32 s21, s17  }
.Ltmp2:
0x30: {  	_ = 	snop;
	(pc) =	sbr.rel @!p1 .LBB2_22-.Ltmp2, $3  }
0x31: {  	_ =	sdelay $0x1  }
0x32: {  	s22 =	smov.u32 s20;
	s31 =	sadd.s32 $0x1, s21;
	s20 =	smov.u32 s19  }
0x33: {  	p0 =	por !p0, !p0;
	s21 =	smov.u32 s31;
	s19 =	smov.u32 s2  }
.LBB2_3:
0x34: {  	p1 =	sge.u32 s21, s13  }
0x35: {  	s0 =	smulhi.u32 @!p1 $0xAAAAAAAB, s21  }
0x36: {  	s2 =	smov.u32 s19;
	p2 =	sgt.s32 @!p1 s19, $0x3FF10  }
0x37: {  	s3 =	sshra.s32 @!p1 s19, $0x1F;
	p2 =	por !p2, p1;
	s0 =	sshrl.u32 @!p1 s0, $0x1  }
0x38: {  	s3 =	sand.u32 @!p1 s3, s19;
	s2 =	simm.s32 @p2 $0x3FF10;
	s0 =	smul.u32 @!p1 $0x3, s0  }
0x39: {  	s2 =	ssub.s32 @!p1 s2, s3  }
0x3a: {  	s2 =	sadd.s32 @!p1 $0xFFFC00F0, s2;
	s0 =	ssub.s32 @!p1 s21, s0  }
0x3b: {  	s3 =	sshll.u32 @!p1 s2, $0x2;
	p2 =	sgt.s32 @!p1 s2, $0xEF;
	s0 =	smul.u32 @!p1 $0x3C0, s0  }
0x3c: {  	s4 =	sand.u32 @!p1 $0x7, s19;
	s2 =	ssub.s32 @!p1 $0x3C0, s3;
	p2 =	por !p2, p1  }
0x3d: {  	s3 =	sshrl.u32 @!p1 s19, $0x3;
	s2 =	sshrl.u32 @!p1 s2, $0x2;
	s0 =	sshrl.u32 @!p1 s0, $0x2  }
0x3e: {  	s3 =	sadd.s32 @!p1 s3, s14;
	s2 =	simm.s32 @!p2 $0x0;
	s0 =	sadd.s32 @!p1 $0x10248, s0  }
0x3f: {  	[tilespmem:s0], [sflag:$0xA] =	stream.linear.gather @!p1 [hbm4b:s3+s4], s2, $0x38;
	[tilespmem:$0x1F6F8] =	vst v63  }
0x40: {  	s0 =	sadd.s32 $0xFFFFFFFF, s21  }
0x41: {  	p1 =	sge.u32 s0, s13  }
0x42: {  	p2 =	sgt.s32 @!p1 s20, $0x3FF10  }
0x43: {  	s2 =	smov.u32 s20;
	s3 =	sshra.s32 @!p1 s20, $0x1F;
	p2 =	por !p2, p1  }
0x44: {  	s3 =	sand.u32 @!p1 s3, s20;
	s2 =	simm.s32 @p2 $0x3FF10  }
0x45: {  	s2 =	ssub.s32 @!p1 s2, s3  }
0x46: {  	s2 =	sadd.s32 @!p1 $0xFFFC00F0, s2  }
0x47: {  	s4 =	sand.u32 @!p1 $0x1, s0;
	s3 =	sshll.u32 @!p1 s2, $0x2  }
0x48: {  	p2 =	sgt.s32 @!p1 s2, $0xEF;
	s2 =	ssub.s32 @!p1 $0x3C0, s3;
	s3 =	smulhi.u32 @!p1 $0xAAAAAAAB, s0  }
0x49: {  	s23 =	smul.u32 @!p1 $0x3C0, s4;
	p2 =	por !p2, p1;
	s2 =	sshrl.u32 @!p1 s2, $0x2  }
0x4a: {  	s5 =	simm.s32 @!p1 $0xA;
	s2 =	simm.s32 @!p2 $0x0;
	s3 =	sshrl.u32 @!p1 s3, $0x1  }
0x4b: {  	s23 =	sshrl.u32 @!p1 s23, $0x2;
	_ =	swait.ge @!p1 [sflag:s5], s2;
	s3 =	smul.u32 @!p1 $0x3, s3  }
0x4c: {  	s23 =	sadd.s32 @!p1 $0x10518, s23;
	s24 =	ssub.s32 @!p1 $0x0, s2;
	[sflag:s5] =	ssyncset.done @!p1 $0x0  }
0x4d: {  	[sflag:s5] =	ssyncadd.s32 @!p1 s24;
	s5 =	sshrl.u32 @!p1 s20, $0x3;
	s0 =	ssub.s32 @!p1 s0, s3  }
0x4e: {  	s24 =	sand.u32 @!p1 $0x7, s20;
	s5 =	sadd.s32 @!p1 s5, s15;
	s0 =	smul.u32 @!p1 $0x3C0, s0  }
0x4f: {  	[tilespmem:s23], [sflag:$0xB] =	stream.linear.gather @!p1 [hbm4b:s5+s24], s2, $0x38;
	[tilespmem:$0x1F6F8] =	vst v63  }
0x50: {  	s3 =	ssub.s32 @!p1 $0x40000, s20;
	s2 =	smul.u32 @!p1 $0x1E000, s4  }
0x51: {  	p2 =	slt.s32 @!p1 s3, $0xF0  }
0x52: {  	p2 =	por !p2, p1;
	s0 =	sshrl.u32 @!p1 s0, $0x2;
	s2 =	sshrl.u32 @!p1 s2, $0x2  }
0x53: {  	s3 =	simm.s32 @p2 $0xF0;
	s0 =	sadd.s32 @!p1 $0x10248, s0;
	s2 =	sor.u32 @!p1 $0x106F8, s2  }
0x54: {  	[tilespmem:s2], [sflag:$0x9] =	stream.indirect.gather @!p1 [hbm4b:s6+s3], $0x80, s0, s3, $0xb8;
	[tilespmem:$0x1F6F8] =	vst v63  }
0x55: {  	p1 =	slt.u32 s21, $0x2  }
.Ltmp3:
0x56: {  	_ = 	snop;
	(pc) =	sbr.rel @p1 .LBB2_21-.Ltmp3, $1  }
0x57: {  	_ =	sdelay $0x3  }
0x58: {  	p1 =	sgt.s32 s22, $0x3FF10  }
0x59: {  	s0 =	smov.u32 s22;
	s2 =	sshra.s32 s22, $0x1F;
	s3 =	ssub.s32 $0x40000, s22  }
0x5a: {  	s0 =	simm.s32 @!p1 $0x3FF10;
	s2 =	sand.u32 s2, s22;
	p1 =	slt.s32 s3, $0xF0  }
0x5b: {  	s0 =	ssub.s32 s0, s2;
	s3 =	simm.s32 @!p1 $0xF0  }
0x5c: {  	s0 =	sadd.s32 $0xFFFC00F0, s0;
	s25 =	sshll.u32 s3, $0x7  }
0x5d: {  	s26 =	sshll.u32 s0, $0x2;
	s2 =	sand.u32 $0x3FFFFF80, s25  }
0x5e: {  	p1 =	sgt.s32 s0, $0xEF;
	s29 =	ssub.s32 $0x3C0, s26;
	_ =	swait.ge [sflag:s10], s2  }
0x5f: {  	s2 =	ssub.s32 $0x0, s2;
	[sflag:s10] =	ssyncset.done $0x0;
	s0 =	sshrl.u32 s29, $0x2  }
0x60: {  	[sflag:s10] =	ssyncadd.s32 s2;
	s0 =	simm.s32 @p1 $0x0  }
0x61: {  	_ =	swait.ge [sflag:s11], s0  }
0x62: {  	s0 =	ssub.s32 $0x0, s0;
	[sflag:s11] =	ssyncset.done $0x0  }
0x63: {  	[sflag:s11] =	ssyncadd.s32 s0  }
0x64: {  	v1 =	vld [tilespmem:$0xF208];
	_ =	sdelay $0x4  }
0x65: {  	(v2sf) =	vpush v1, $0x0  }
0x66: {  	(v2sf) =	vpush v1, $0x1  }
0x67: {  	(v2sf) =	vpush v1, $0x2;
	_ =	sdelay $0x3  }
0x68: {  	s0 =	sadd.s32 $0xF0, s22  }
0x69: {  	s2 =	ssub.s32 $0x80000, s22;
	p1 =	slt.s32 s8, s0  }
0x6a: {  	s0 =	smov.u32 @p1 s8;
	p1 =	sgt.s32 s2, $0x0  }
0x6b: {  	s26 =	ssub.s32 s0, s22;
	s2 =	simm.s32 @!p1 $0x0  }
0x6c: {  	p1 =	slt.s32 s2, s26  }
0x6d: {  	s26 =	smov.u32 @p1 s2  }
0x6e: {  	s25 =	simm.s32 $0x1;
	p1 =	slt.s32 s26, $0x1  }
.Ltmp4:
0x6f: {  	s25 =	simm.s32 @!p0 $0x0;
	(pc) =	sbr.rel @p1 .LBB2_8-.Ltmp4, $4  }
0x70: {  	s31 =	smul.u32 $0x3C0, s25  }
0x71: {  	s28 =	spop (v2sf)  }
0x72: {  	s0 =	sshrl.u32 s31, $0x2;
	s30 =	spop (v2sf)  }
0x73: {  	s23 =	sadd.s32 $0x10518, s0;
	s22 =	spop (v2sf)  }
0x74: {  	s0 =	smin.u32 s26, $0x10  }
0x75: {  	v1 =	vmov s0  }
0x76: {  	p2 =	sgt.s32 s26, $0x10;
	vm1 =	vgt.u32 v1, v0  }
.Ltmp5:
0x77: {  	_ = 	snop;
	(pc) =	sbr.rel @!p2 .LBB2_7-.Ltmp5, $2  }
0x78: {  	_ =	sdelay $0x2  }
0x79: {  	s4 =	simm.s32 $0x10;
	s24 =	sadd.s32 $0xFFFFFFF0, s26;
	s0 =	smov.u32 s23;
	vm0 =	vmmov vm1  }
.LBB2_6:
0x7a: {  	s2 =	smin.u32 s24, $0x10;
	s4 =	sadd.s32 $0x10, s4;
	v1 =	vld.msk [tilespmem:s0+$0x0 ss:$0x1], vm1  }
0x7b: {  	v2 =	vmov s2;
	p2 =	slt.s32 s4, s26  }
0x7c: {  	vm1 =	vgt.u32 v2, v0  }
.Ltmp6:
0x7d: {  	(pc) =	sbr.rel @p2 .LBB2_6-.Ltmp6, $3  }
0x7e: {  	_ =	sdelay $0x1  }
0x7f: {  	v1 =	vshll.u32 v1, $0x4  }
0x80: {  	s24 =	sadd.s32 $0xFFFFFFF0, s24;
	[tilespmem:s0+$0x0] =	vst.msk vm0, v1;
	s0 =	sadd.s32 $0x10, s0;
	vm0 =	vmmov vm1  }
.LBB2_7:
0x81: {  	_ =	sdelay $0x4  }
0x82: {  	v1 =	vld.msk [tilespmem:s0+$0x0 ss:$0x1], vm1;
	_ =	sdelay $0x4  }
0x83: {  	v1 =	vshll.u32 v1, $0x4  }
0x84: {  	[tilespmem:s0+$0x0] =	vst.msk vm0, v1  }
.LBB2_8:
0x85: {  	s0 =	sand.u32 $0x1, s21  }
0x86: {  	s0 =	smul.u32 $0xF0, s0  }
0x87: {  	p2 =	sne.s32 s30, $0xFFFFFFFF  }
0x88: {  	v1 =	vld.msk @!p2 [tilespmem:s0+$0x10518], $0x1;
	_ =	sdelay $0x4  }
0x89: {  	(v2sf) =	vpush @!p2 v1, $0x0;
	_ =	sdelay $0xc  }
.Ltmp7:
0x8a: {  	_ = 	snop;
	(pc) =	sbr.rel @p1 .LBB2_19-.Ltmp7, $4  }
0x8b: {  	_ = 	snop  }
0x8c: {  	s29 =	spop @!p2 (v2sf)  }
0x8d: {  	s22 =	simm.s32 @!p2 $0x0;
	s24 =	smov.u32 s29  }
0x8e: {  	[sflag:s18] =	ssyncpa.u1 $0x0;
	s29 =	smov.u32 @p2 s28;
	s24 =	smov.u32 @p2 s30  }
0x8f: {  	v1 =	vld.msk [tilespmem:s23+$0x0], $0x1;
	_ =	sdelay $0x4  }
0x90: {  	(v2sf) =	vpush v1, $0x0;
	_ =	sdelay $0xe  }
0x91: {  	s2 =	smul.u32 $0x1E000, s25;
	s0 =	spop (v2sf)  }
0x92: {  	s26 =	ssub.s32 $0x0, s26;
	p1 =	seq.s32 s29, s0  }
0x93: {  	s30 =	sadd.s32 $0x1, s26;
	s2 =	sshrl.u32 s2, $0x2;
	p2 =	sgt.s32 @!p1 s29, $0x0  }
0x94: {  	s25 =	sor.u32 $0x10738, s2;
	s2 =	smov.u32 s29;
	p2 =	por !p2, p1  }
0x95: {  	s2 =	simm.s32 @p2 $0x0;
	p2 =	seq.s32 s30, $0x0  }
.Ltmp8:
0x96: {  	_ = 	snop;
	(pc) =	sbr.rel @p2 .LBB2_11-.Ltmp8, $4  }
0x97: {  	_ = 	snop  }
0x98: {  	s28 =	simm.s32 $0x0;
	s31 =	sadd.s32 $0x1, s23;
	s2 =	smin.u32 @!p1 s2, $0x3FFFF0  }
0x99: {  	s4 =	simm.s32 @!p1 $0x1;
	s5 =	simm.s32 @!p1 $0x7988;
	s3 =	sand.u32 @!p1 $0x3FFFF8, s2  }
0x9a: {  	s4 =	smov.u32 @p1 s28;
	s2 =	sand.u32 @!p1 $0x7, s2;
	s3 =	sadd.s32 @!p1 s1, s3  }
.LBB2_10:
0x9b: {  	s9 =	smov.u32 s4  }
0x9c: {  	[tilespmem:s5], [sflag:$0x2] =	stream.linear.gather @!p1 [hbm4b:s3+s2], $0x80, $0x38;
	[tilespmem:$0x1F6F8] =	vst v63  }
0x9d: {  	s30 =	sadd.s32 $0x1, s30;
	s2 =	smov.u32 s0;
	v1 =	vld.msk [tilespmem:s31+$0x0], $0x1  }
0x9e: {  	p2 =	seq.s32 s30, $0x0;
	_ =	sdelay $0x3  }
0x9f: {  	(v2sf) =	vpush v1, $0x0;
	_ =	sdelay $0xe  }
0xa0: {  	s0 =	spop (v2sf)  }
0xa1: {  	p1 =	seq.s32 s2, s0  }
0xa2: {  	p3 =	sgt.s32 @!p1 s2, $0x0;
	s3 =	sshll.u32 @!p1 s4, $0x9;
	s4 =	sadd.s32 @!p1 $0x1, s4  }
.Ltmp9:
0xa3: {  	p3 =	por !p3, p1;
	s3 =	sshra.s32 @!p1 s3, $0x2;
	(pc) =	sbr.rel @!p2 .LBB2_10-.Ltmp9, $4  }
0xa4: {  	s4 =	smov.u32 @p1 s9;
	s2 =	simm.s32 @p3 $0x0;
	s5 =	sadd.s32 @!p1 $0x7988, s3  }
0xa5: {  	s2 =	smin.u32 @!p1 s2, $0x3FFFF0  }
0xa6: {  	s3 =	sand.u32 @!p1 $0x3FFFF8, s2;
	s2 =	sand.u32 @!p1 $0x7, s2  }
0xa7: {  	s31 =	sadd.s32 $0x1, s31;
	s3 =	sadd.s32 @!p1 s1, s3  }
.LBB2_11:
0xa8: {  	[tilespmem:s5], [sflag:$0x2] =	stream.linear.gather @!p1 [hbm4b:s3+s2], $0x80, $0x38;
	[tilespmem:$0x1F6F8] =	vst v63  }
.Ltmp10:
0xa9: {  	s0 =	sshll.u32 s4, $0x7;
	(pc) =	sbr.rel .LBB2_12-.Ltmp10, $4  }
0xaa: {  	s30 =	simm.s32 $0x2;
	s0 =	sand.u32 $0x3FFFFF80, s0  }
0xab: {  	_ =	swait.ge [sflag:s30], s0  }
0xac: {  	s0 =	ssub.s32 $0x0, s0;
	[sflag:s30] =	ssyncset.done $0x0  }
0xad: {  	s31 =	simm.s32 $0x0;
	[sflag:s30] =	ssyncadd.s32 s0  }
.LBB2_13:
0xae: {  	v1 =	vld [tilespmem:s25+$0xFFFFFFC0];
	_ =	sdelay $0x3  }
0xaf: {  	s0 =	sshra.s32 s0, $0x2  }
0xb0: {  	[tilespmem:s0+$0x108] =	vst.add.f32.msk $0xffff, v1  }
0xb1: {  	v1 =	vld [tilespmem:s25+$0xFFFFFFD0];
	_ =	sdelay $0x4  }
0xb2: {  	[tilespmem:s0+$0x118] =	vst.add.f32.msk $0xffff, v1  }
0xb3: {  	v1 =	vld [tilespmem:s25+$0xFFFFFFE0];
	_ =	sdelay $0x4  }
0xb4: {  	[tilespmem:s0+$0x128] =	vst.add.f32.msk $0xffff, v1  }
0xb5: {  	v1 =	vld [tilespmem:s25+$0xFFFFFFF0];
	_ =	sdelay $0x4  }
0xb6: {  	[tilespmem:s0+$0x138] =	vst.add.f32.msk $0xffff, v1  }
0xb7: {  	v1 =	vld [tilespmem:s25+$0x0];
	_ =	sdelay $0x4  }
0xb8: {  	[tilespmem:s0+$0x148] =	vst.add.f32.msk $0xffff, v1  }
0xb9: {  	v1 =	vld [tilespmem:s25+$0x10];
	_ =	sdelay $0x4  }
0xba: {  	[tilespmem:s0+$0x158] =	vst.add.f32.msk $0xffff, v1  }
0xbb: {  	v1 =	vld [tilespmem:s25+$0x20];
	_ =	sdelay $0x4  }
0xbc: {  	[tilespmem:s0+$0x168] =	vst.add.f32.msk $0xffff, v1  }
0xbd: {  	v1 =	vld [tilespmem:s25+$0x30];
	_ =	sdelay $0x4  }
0xbe: {  	[tilespmem:s0+$0x178] =	vst.add.f32.msk $0xffff, v1  }
.LBB2_17:
0xbf: {  	s26 =	sadd.s32 $0x1, s26  }
0xc0: {  	p1 =	seq.s32 s26, $0x0  }
.Ltmp11:
0xc1: {  	_ = 	snop;
	(pc) =	sbr.rel @p1 .LBB2_18-.Ltmp11, $2  }
0xc2: {  	_ =	sdelay $0x2  }
0xc3: {  	s23 =	sadd.s32 $0x1, s23;
	s25 =	sadd.s32 $0x80, s25;
	s29 =	smov.u32 s30  }
.LBB2_12:
0xc4: {  	v1 =	vld.msk [tilespmem:s23+$0x0], $0x1;
	_ =	sdelay $0x4  }
0xc5: {  	(v2sf) =	vpush v1, $0x0;
	_ =	sdelay $0xe  }
0xc6: {  	s30 =	spop (v2sf)  }
0xc7: {  	p1 =	sne.s32 s29, s30  }
.Ltmp12:
0xc8: {  	_ = 	snop;
	(pc) =	sbr.rel @!p1 .LBB2_13-.Ltmp12, $2  }
0xc9: {  	_ =	sdelay $0x2  }
0xca: {  	s0 =	sshll.u32 s22, $0x9  }
0xcb: {  	p1 =	seq.s32 s29, s24  }
.Ltmp13:
0xcc: {  	_ = 	snop;
	(pc) =	sbr.rel @!p1 .LBB2_15-.Ltmp13, $1  }
0xcd: {  	_ =	sdelay $0x3  }
0xce: {  	s0 =	sshra.s32 s0, $0x2  }
.Ltmp14:
0xcf: {  	s0 =	sadd.s32 $0x108, s0;
	(pc) =	sbr.rel .LBB2_16-.Ltmp14, $4  }
0xd0: {  	[spmem:s16] =	stream.linear.scatter [tilespmem:s0], [sflag:$0x1], $0x80, $0x38;
	[tilespmem:$0x1F6F8] =	vst v63  }
0xd1: {  	_ =	swait.ge [sflag:s12], $0x80  }
0xd2: {  	[sflag:s12] =	ssyncset.done $0x0  }
0xd3: {  	[sflag:s12] =	ssyncadd.s32 $0xFFFFFF80  }
.LBB2_15:
0xd4: {  	s2 =	sshll.u32 s28, $0x9  }
0xd5: {  	s2 =	sshra.s32 s2, $0x2  }
0xd6: {  	v1 =	vld [tilespmem:s2+$0x7988];
	_ =	sdelay $0x3  }
0xd7: {  	s0 =	sshra.s32 s0, $0x2  }
0xd8: {  	[tilespmem:s0+$0x108] =	vst.add.f32.msk $0xffff, v1  }
0xd9: {  	v1 =	vld [tilespmem:s2+$0x7998];
	_ =	sdelay $0x4  }
0xda: {  	[tilespmem:s0+$0x118] =	vst.add.f32.msk $0xffff, v1  }
0xdb: {  	v1 =	vld [tilespmem:s2+$0x79A8];
	_ =	sdelay $0x4  }
0xdc: {  	[tilespmem:s0+$0x128] =	vst.add.f32.msk $0xffff, v1  }
0xdd: {  	v1 =	vld [tilespmem:s2+$0x79B8];
	_ =	sdelay $0x4  }
0xde: {  	[tilespmem:s0+$0x138] =	vst.add.f32.msk $0xffff, v1  }
0xdf: {  	v1 =	vld [tilespmem:s2+$0x79C8];
	_ =	sdelay $0x4  }
0xe0: {  	[tilespmem:s0+$0x148] =	vst.add.f32.msk $0xffff, v1  }
0xe1: {  	v1 =	vld [tilespmem:s2+$0x79D8];
	_ =	sdelay $0x4  }
0xe2: {  	[tilespmem:s0+$0x158] =	vst.add.f32.msk $0xffff, v1  }
0xe3: {  	v1 =	vld [tilespmem:s2+$0x79E8];
	_ =	sdelay $0x4  }
0xe4: {  	[tilespmem:s0+$0x168] =	vst.add.f32.msk $0xffff, v1  }
0xe5: {  	v1 =	vld [tilespmem:s2+$0x79F8];
	_ =	sdelay $0x2  }
0xe6: {  	p1 =	sgt.u32 s29, $0x3FFFF0  }
0xe7: {  	s2 =	sand.u32 @!p1 $0x3FFFF8, s29  }
0xe8: {  	s3 =	sadd.s32 $0x108, s0;
	[tilespmem:s0+$0x178] =	vst.add.f32.msk $0xffff, v1;
	s0 =	sadd.s32 @!p1 s1, s2;
	s2 =	sand.u32 @!p1 $0x7, s29  }
0xe9: {  	[hbm4b:s0+s2] =	stream.linear.scatter @!p1 [tilespmem:s3], [sflag:$0xC], $0x80, $0x38;
	[tilespmem:$0x1F6F8] =	vst v63  }
0xea: {  	s0 =	simm.s32 $0x0  }
0xeb: {  	s0 =	simm.s32 @!p1 $0x200  }
0xec: {  	s31 =	sadd.s32 s0, s31  }
.LBB2_16:
0xed: {  	s0 =	sadd.s32 $0x1, s22  }
0xee: {  	s2 =	smulhi.u32 $0x88888889, s0;
	_ =	sdelay $0x1  }
0xef: {  	v1 =	vld [tilespmem:s25+$0xFFFFFFC0];
	s2 =	sshrl.u32 s2, $0x7  }
0xf0: {  	s2 =	smul.u32 $0xF0, s2;
	_ =	sdelay $0x1  }
0xf1: {  	s22 =	ssub.s32 s0, s2  }
0xf2: {  	s0 =	sshll.u32 s22, $0x7  }
0xf3: {  	[tilespmem:s0+$0x108] =	vst v1  }
0xf4: {  	v1 =	vld [tilespmem:s25+$0xFFFFFFD0];
	_ =	sdelay $0x4  }
0xf5: {  	[tilespmem:s0+$0x118] =	vst v1  }
0xf6: {  	v1 =	vld [tilespmem:s25+$0xFFFFFFE0];
	_ =	sdelay $0x4  }
0xf7: {  	[tilespmem:s0+$0x128] =	vst v1  }
0xf8: {  	v1 =	vld [tilespmem:s25+$0xFFFFFFF0];
	_ =	sdelay $0x4  }
0xf9: {  	[tilespmem:s0+$0x138] =	vst v1  }
0xfa: {  	v1 =	vld [tilespmem:s25+$0x0];
	_ =	sdelay $0x4  }
0xfb: {  	[tilespmem:s0+$0x148] =	vst v1  }
0xfc: {  	v1 =	vld [tilespmem:s25+$0x10];
	_ =	sdelay $0x4  }
0xfd: {  	[tilespmem:s0+$0x158] =	vst v1  }
0xfe: {  	v1 =	vld [tilespmem:s25+$0x20];
	_ =	sdelay $0x4  }
0xff: {  	[tilespmem:s0+$0x168] =	vst v1  }
0x100: {  	v1 =	vld [tilespmem:s25+$0x30]  }
.Ltmp15:
0x101: {  	_ = 	snop;
	(pc) =	sbr.rel .LBB2_17-.Ltmp15, $2  }
0x102: {  	_ =	sdelay $0x2  }
0x103: {  	s28 =	sadd.s32 $0x1, s28;
	[tilespmem:s0+$0x178] =	vst v1  }
.LBB2_19:
.Ltmp16:
0x104: {  	(pc) =	sbr.rel .LBB2_20-.Ltmp16, $4  }
0x105: {  	_ = 	snop  }
0x106: {  	s0 =	simm.s32 $0x2  }
0x107: {  	_ =	swait.ge [sflag:s0], $0x0  }
0x108: {  	s30 =	smov.u32 s29;
	[sflag:s0] =	ssyncset.done $0x0;
	s0 =	simm.s32 $0x0  }
.LBB2_22:
0x109: {  	_ =	sfence.sel $0x180000  }
0x10a: {  	s0 =	simm.s32 $0x9;
	[bflag:$0x0] =	sbarrier.arrive $0xFFFF  }
0x10b: {  	s24 =	simm.s32 $0xA;
	[sflag:s0] =	ssyncpa.u1 $0x1  }
0x10c: {  	s25 =	simm.s32 $0xB;
	[sflag:s24] =	ssyncpa.u1 $0x1  }
0x10d: {  	s26 =	simm.s32 $0x2;
	[sflag:s25] =	ssyncpa.u1 $0x1  }
0x10e: {  	[sflag:s26] =	ssyncpa.u1 $0x1  }
0x10f: {  	v0 =	vld [tilespmem:$0xF208];
	_ =	sdelay $0x4  }
0x110: {  	(v2sf) =	vpush v0, $0x0  }
0x111: {  	(v2sf) =	vpush v0, $0x1;
	_ =	sdelay $0x1  }
0x112: {  	(v2sf) =	vpush v0, $0x2;
	_ =	sdelay $0xb  }
0x113: {  	s0 =	spop (v2sf)  }
0x114: {  	s2 =	spop (v2sf)  }
0x115: {  	s3 =	smov.u32 s0;
	p0 =	sne.s32 s0, s2  }
0x116: {  	s4 =	spop (v2sf);
	s3 =	simm.s32 @!p0 $0xFFFFFFFF  }
0x117: {  	v2 =	vimm.s32 $0x1;
	v3 =	vlaneseq.u32;
	p0 =	seq.s32 s4, $0xFFFFFFFF;
	v1 =	vmov s3  }
0x118: {  	s16 =	stileid.u32;
	v0 =	vperm.xlane v0, v2;
	p1 =	sne.s32 @!p0 s0, s2;
	v1 =	vperm.xlane v1, v3  }
0x119: {  	vm0 =	vcmask $0x3F04;
	s6 =	simm.s32 $0xF208;
	s0 =	simm.s32 @!p0 $0x1;
	p1 =	por !p1, p0  }
0x11a: {  	s3 =	sshll.u32 s16, $0x1;
	s2 =	sshll.u32 @!p0 s4, $0x9;
	s0 =	simm.s32 @p1 $0x0;
	v0 =	vsel vm0, v1, v0  }
0x11b: {  	s5 =	sor.u32 $0x1000, s3;
	s2 =	sshra.s32 @!p0 s2, $0x2;
	s0 =	sor.u32 @!p0 s0, s3;
	[tilespmem:$0xF208] =	vst v0  }
0x11c: {  	[spmem:s5] =	stream.linear.scatter [tilespmem:s6], [sflag:$0x1], $0x2, $0x38;
	[tilespmem:$0x1F6F8] =	vst v63  }
0x11d: {  	s2 =	sadd.s32 @!p0 $0x108, s2;
	s0 =	sshll.u32 @!p0 s0, $0x7  }
0x11e: {  	[spmem:s0] =	stream.linear.scatter @!p0 [tilespmem:s2], [sflag:$0x1], $0x80, $0x38;
	[tilespmem:$0x1F6F8] =	vst v63  }
0x11f: {  	s0 =	simm.s32 @!p0 $0x82  }
0x120: {  	s28 =	simm.s32 $0x1;
	s0 =	simm.s32 @p0 $0x2  }
0x121: {  	_ =	swait.ge [sflag:s28], s0  }
0x122: {  	s0 =	ssub.s32 $0x0, s0;
	[sflag:s28] =	ssyncset.done $0x0  }
0x123: {  	p0 =	sne.s32 s16, $0x0;
	[sflag:s28] =	ssyncadd.s32 s0  }
.Ltmp17:
0x124: {  	_ =	sfence.stream.spmem;
	(pc) =	sbr.rel @p0 .LBB2_39-.Ltmp17, $4  }
0x125: {  	s29 =	simm.s32 $0x3;
	[bflag:$0x0] =	sbarrier.arrive $0xFFFF  }
0x126: {  	s30 =	simm.s32 $0x4;
	[sflag:s29] =	ssyncpa.u1 $0x1  }
0x127: {  	s31 =	simm.s32 $0x3C;
	[sflag:s30] =	ssyncpa.u1 $0x1  }
0x128: {  	s15 =	rddreg [dreg:$0x4];
	[sflag:s31] =	ssyncpa.u1 $0x1  }
0x129: {  	_ =	sfence.stream.spmem;
	s0 =	simm.s32 $0x5  }
0x12a: {  	s2 =	simm.s32 $0x1000;
	s3 =	simm.s32 $0xF218;
	[sflag:s0] =	ssyncpa.u1 $0x0  }
0x12b: {  	[tilespmem:s3], [sflag:$0x5] =	stream.linear.gather [spmem:s2], $0x20, $0x38;
	[tilespmem:$0x1F6F8] =	vst v63  }
0x12c: {  	s26 =	simm.s32 $0x0;
	s28 =	simm.s32 $0xF238  }
0x12d: {  	[tilespmem:s28], [sflag:$0x5] =	stream.linear.gather [spmem:s26], $0x1000, $0x38;
	[tilespmem:$0x1F6F8] =	vst v63  }
0x12e: {  	_ =	swait.ge [sflag:s0], $0x1020  }
0x12f: {  	[sflag:s0] =	ssyncset.done $0x0  }
0x130: {  	s29 =	simm.s32 $0x0;
	[sflag:s0] =	ssyncadd.s32 $0xFFFFEFE0  }
0x131: {  	v0 =	vld.msk [tilespmem:s29+$0xF218], $0x1;
	_ =	sdelay $0x1  }
0x132: {  	s30 =	simm.s32 $0x1  }
0x133: {  	v1 =	vld.msk [tilespmem:s30+$0xF218], $0x1;
	_ =	sdelay $0x1  }
0x134: {  	(v2sf) =	vpush v0, $0x0;
	_ =	sdelay $0x2  }
0x135: {  	(v2sf) =	vpush v1, $0x0;
	_ =	sdelay $0x2  }
0x136: {  	s31 =	simm.s32 $0x2  }
0x137: {  	v0 =	vld.msk [tilespmem:s31+$0xF218], $0x1;
	_ =	sdelay $0x2  }
0x138: {  	s4 =	simm.s32 $0xFFFFFFFF;
	s5 =	simm.s32 $0xFFFFFFFF;
	s0 =	simm.s32 $0xC  }
.LBB2_24:
0x139: {  	s2 =	smov.u32 s5;
	s3 =	smov.u32 s4  }
0x13a: {  	s4 =	sshra.s32 s0, $0x2;
	p1 =	sne.s32 s0, $0x7C;
	s0 =	sadd.s32 $0x4, s0;
	(v2sf) =	vpush v0, $0x0  }
0x13b: {  	v0 =	vld.msk [tilespmem:s4+$0xF218], $0x1  }
.Ltmp18:
0x13c: {  	(pc) =	sbr.rel @p1 .LBB2_24-.Ltmp18, $4  }
0x13d: {  	s5 =	spop (v2sf)  }
0x13e: {  	p2 =	sne.s32 s3, $0xFFFFFFFF;
	s4 =	smov.u32 s5  }
0x13f: {  	p3 =	seq.s32 s5, $0xFFFFFFFF;
	s4 =	smov.u32 @p2 s3  }
0x140: {  	s5 =	smov.u32 @p3 s2;
	s4 =	smov.u32 @p3 s3  }
0x141: {  	(v2sf) =	vpush v0, $0x0;
	_ =	sdelay $0x8  }
0x142: {  	s0 =	spop (v2sf)  }
0x143: {  	p1 =	sne.s32 s4, $0xFFFFFFFF;
	s2 =	smov.u32 s0  }
0x144: {  	s9 =	simm.s32 $0x6;
	p2 =	seq.s32 s0, $0xFFFFFFFF;
	s2 =	smov.u32 @p1 s4  }
0x145: {  	s6 =	simm.s32 $0x0;
	s2 =	smov.u32 @p2 s4;
	s3 =	spop (v2sf)  }
0x146: {  	s0 =	smov.u32 @p2 s5;
	p1 =	sne.s32 s2, $0xFFFFFFFF;
	s4 =	smov.u32 s3  }
.Ltmp19:
0x147: {  	p2 =	seq.s32 s3, $0xFFFFFFFF;
	s4 =	smov.u32 @p1 s2;
	(pc) =	sbr.rel .LBB2_26-.Ltmp19, $4  }
0x148: {  	s10 =	simm.s32 $0xF188;
	s4 =	smov.u32 @p2 s2;
	s7 =	spop (v2sf)  }
0x149: {  	s11 =	simm.s32 $0x0;
	p1 =	sne.s32 s4, $0xFFFFFFFF;
	s8 =	smov.u32 s7  }
0x14a: {  	s3 =	smov.u32 @p2 s0;
	p2 =	seq.s32 s7, $0xFFFFFFFF;
	s8 =	smov.u32 @p1 s4  }
0x14b: {  	[sflag:s9] =	ssyncpa.u1 $0x0;
	s7 =	smov.u32 @p2 s3;
	s8 =	smov.u32 @p2 s4  }
.LBB2_32:
0x14c: {  	p1 =	sgt.u32 s12, $0x3FFFF0  }
0x14d: {  	p2 =	seq.s32 @!p1 s12, s8  }
0x14e: {  	p1 =	por p1, p2  }
0x14f: {  	p2 =	sne.s32 @!p1 s12, s7  }
0x150: {  	p1 =	por p1, !p2  }
0x151: {  	s0 =	sshll.u32 @p1 s11, $0x9  }
0x152: {  	s0 =	sand.u32 @!p1 $0x3FFFF8, s12  }
0x153: {  	s2 =	sand.u32 @!p1 $0x7, s12;
	s0 =	sadd.s32 @!p1 s1, s0  }
0x154: {  	[tilespmem:s10], [sflag:$0x6] =	stream.linear.gather @!p1 [hbm4b:s0+s2], $0x80, $0x38;
	[tilespmem:$0x1F6F8] =	vst v63  }
0x155: {  	_ =	swait.ge @!p1 [sflag:s9], $0x80  }
0x156: {  	[sflag:s9] =	ssyncset.done @!p1 $0x0  }
0x157: {  	[sflag:s9] =	ssyncadd.s32 @!p1 $0xFFFFFF80  }
0x158: {  	v1 =	vld @!p1 [tilespmem:$0xF188];
	_ =	sdelay $0x2  }
0x159: {  	s0 =	sshll.u32 @!p1 s11, $0x9  }
0x15a: {  	s2 =	sshrl.u32 @!p1 s0, $0x2  }
0x15b: {  	[tilespmem:s2+$0xF238] =	vst.add.f32.msk @!p1 $0xffff, v1  }
0x15c: {  	v1 =	vld @!p1 [tilespmem:$0xF198];
	_ =	sdelay $0x4  }
0x15d: {  	[tilespmem:s2+$0xF248] =	vst.add.f32.msk @!p1 $0xffff, v1  }
0x15e: {  	v1 =	vld @!p1 [tilespmem:$0xF1A8];
	_ =	sdelay $0x4  }
0x15f: {  	[tilespmem:s2+$0xF258] =	vst.add.f32.msk @!p1 $0xffff, v1  }
0x160: {  	v1 =	vld @!p1 [tilespmem:$0xF1B8];
	_ =	sdelay $0x4  }
0x161: {  	[tilespmem:s2+$0xF268] =	vst.add.f32.msk @!p1 $0xffff, v1  }
0x162: {  	v1 =	vld @!p1 [tilespmem:$0xF1C8];
	_ =	sdelay $0x4  }
0x163: {  	[tilespmem:s2+$0xF278] =	vst.add.f32.msk @!p1 $0xffff, v1  }
0x164: {  	v1 =	vld @!p1 [tilespmem:$0xF1D8];
	_ =	sdelay $0x4  }
0x165: {  	[tilespmem:s2+$0xF288] =	vst.add.f32.msk @!p1 $0xffff, v1  }
0x166: {  	v1 =	vld @!p1 [tilespmem:$0xF1E8];
	_ =	sdelay $0x4  }
0x167: {  	[tilespmem:s2+$0xF298] =	vst.add.f32.msk @!p1 $0xffff, v1  }
0x168: {  	v1 =	vld @!p1 [tilespmem:$0xF1F8];
	_ =	sdelay $0x4  }
0x169: {  	[tilespmem:s2+$0xF2A8] =	vst.add.f32.msk @!p1 $0xffff, v1  }
0x16a: {  	s0 =	sshrl.u32 s0, $0x2;
	[tilespmem:s6+$0xF218] =	vst.msk $0x1, v0  }
0x16b: {  	v0 =	vld [tilespmem:s0+$0xF238];
	_ =	sdelay $0x2  }
0x16c: {  	s31 =	sshll.u32 s6, $0x9  }
0x16d: {  	s2 =	sshra.s32 s31, $0x2  }
0x16e: {  	[tilespmem:s2+$0xF238] =	vst v0  }
0x16f: {  	v0 =	vld [tilespmem:s0+$0xF248];
	_ =	sdelay $0x4  }
0x170: {  	[tilespmem:s2+$0xF248] =	vst v0  }
0x171: {  	v0 =	vld [tilespmem:s0+$0xF258];
	_ =	sdelay $0x4  }
0x172: {  	[tilespmem:s2+$0xF258] =	vst v0  }
0x173: {  	v0 =	vld [tilespmem:s0+$0xF268];
	_ =	sdelay $0x4  }
0x174: {  	[tilespmem:s2+$0xF268] =	vst v0  }
0x175: {  	v0 =	vld [tilespmem:s0+$0xF278];
	_ =	sdelay $0x4  }
0x176: {  	[tilespmem:s2+$0xF278] =	vst v0  }
0x177: {  	v0 =	vld [tilespmem:s0+$0xF288];
	_ =	sdelay $0x4  }
0x178: {  	[tilespmem:s2+$0xF288] =	vst v0  }
0x179: {  	v0 =	vld [tilespmem:s0+$0xF298];
	_ =	sdelay $0x4  }
0x17a: {  	[tilespmem:s2+$0xF298] =	vst v0  }
0x17b: {  	v0 =	vld [tilespmem:s0+$0xF2A8];
	_ =	sdelay $0x4  }
0x17c: {  	s6 =	sadd.s32 $0x1, s6;
	[tilespmem:s2+$0xF2A8] =	vst v0  }
.LBB2_33:
0x17d: {  	s11 =	sadd.s32 $0x1, s11  }
0x17e: {  	p1 =	sne.s32 s11, $0x20  }
.Ltmp20:
0x17f: {  	_ = 	snop;
	(pc) =	sbr.rel @!p1 .LBB2_34-.Ltmp20, $1  }
0x180: {  	_ =	sdelay $0x3  }
.LBB2_26:
0x181: {  	v0 =	vld.msk [tilespmem:s11+$0xF218], $0x1;
	_ =	sdelay $0x4  }
0x182: {  	(v2sf) =	vpush v0, $0x0;
	_ =	sdelay $0xe  }
0x183: {  	s12 =	spop (v2sf)  }
0x184: {  	p1 =	seq.s32 s12, $0xFFFFFFFF  }
.Ltmp21:
0x185: {  	_ = 	snop;
	(pc) =	sbr.rel @p1 .LBB2_33-.Ltmp21, $1  }
0x186: {  	_ =	sdelay $0x3  }
0x187: {  	p1 =	slt.s32 s6, $0x1  }
.Ltmp22:
0x188: {  	_ = 	snop;
	(pc) =	sbr.rel @p1 .LBB2_32-.Ltmp22, $1  }
0x189: {  	_ =	sdelay $0x3  }
0x18a: {  	s13 =	simm.s32 $0xF218;
	p1 =	por $0x0, $0x0  }
0x18b: {  	v1 =	vld.msk @!p1 [tilespmem:s13+$0x0], $0x1;
	_ =	sdelay $0x4  }
0x18c: {  	(v2sf) =	vpush @!p1 v1, $0x0;
	_ =	sdelay $0xd  }
0x18d: {  	p3 =	sne.s32 s6, $0x1  }
.Ltmp23:
0x18e: {  	s0 =	spop @!p1 (v2sf);
	(pc) =	sbr.rel @!p3 .LBB2_30-.Ltmp23, $4  }
0x18f: {  	p2 =	seq.s32 @!p1 s12, s0  }
0x190: {  	s14 =	simm.s32 $0x0;
	p2 =	por !p2, p1  }
0x191: {  	s2 =	simm.s32 $0xFFFFFFFF;
	s14 =	simm.s32 @p2 $0xFFFFFFFF  }
0x192: {  	s0 =	simm.s32 $0x1;
	s14 =	smov.u32 @p1 s2  }
.LBB2_29:
0x193: {  	s2 =	smov.u32 s14;
	p1 =	sne.s32 s14, $0xFFFFFFFF  }
0x194: {  	s13 =	sadd.s32 $0x1, s13;
	s14 =	smov.u32 s0;
	s0 =	sadd.s32 $0x1, s0  }
0x195: {  	p2 =	sne.s32 s6, s0;
	v1 =	vld.msk @!p1 [tilespmem:s13+$0x0], $0x1;
	_ =	sdelay $0x4  }
0x196: {  	(v2sf) =	vpush @!p1 v1, $0x0;
	_ =	sdelay $0xe  }
.Ltmp24:
0x197: {  	s3 =	spop @!p1 (v2sf);
	(pc) =	sbr.rel @p2 .LBB2_29-.Ltmp24, $4  }
0x198: {  	p3 =	seq.s32 @!p1 s12, s3  }
0x199: {  	p3 =	por !p3, p1  }
0x19a: {  	s14 =	simm.s32 @p3 $0xFFFFFFFF  }
0x19b: {  	s14 =	smov.u32 @p1 s2  }
.LBB2_30:
0x19c: {  	p1 =	seq.s32 s14, $0xFFFFFFFF  }
.Ltmp25:
0x19d: {  	_ = 	snop;
	(pc) =	sbr.rel @p1 .LBB2_32-.Ltmp25, $1  }
0x19e: {  	_ =	sdelay $0x3  }
0x19f: {  	s0 =	sshll.u32 s11, $0x7  }
0x1a0: {  	s0 =	sand.u32 $0x3FFFFF80, s0  }
0x1a1: {  	v0 =	vld [tilespmem:s0+$0xF238];
	_ =	sdelay $0x2  }
0x1a2: {  	s2 =	sshll.u32 s14, $0x9  }
0x1a3: {  	s2 =	sshra.s32 s2, $0x2  }
0x1a4: {  	[tilespmem:s2+$0xF238] =	vst.add.f32.msk $0xffff, v0  }
0x1a5: {  	v0 =	vld [tilespmem:s0+$0xF248];
	_ =	sdelay $0x4  }
0x1a6: {  	[tilespmem:s2+$0xF248] =	vst.add.f32.msk $0xffff, v0  }
0x1a7: {  	v0 =	vld [tilespmem:s0+$0xF258];
	_ =	sdelay $0x4  }
0x1a8: {  	[tilespmem:s2+$0xF258] =	vst.add.f32.msk $0xffff, v0  }
0x1a9: {  	v0 =	vld [tilespmem:s0+$0xF268];
	_ =	sdelay $0x4  }
0x1aa: {  	[tilespmem:s2+$0xF268] =	vst.add.f32.msk $0xffff, v0  }
0x1ab: {  	v0 =	vld [tilespmem:s0+$0xF278];
	_ =	sdelay $0x4  }
0x1ac: {  	[tilespmem:s2+$0xF278] =	vst.add.f32.msk $0xffff, v0  }
0x1ad: {  	v0 =	vld [tilespmem:s0+$0xF288];
	_ =	sdelay $0x4  }
0x1ae: {  	[tilespmem:s2+$0xF288] =	vst.add.f32.msk $0xffff, v0  }
0x1af: {  	v0 =	vld [tilespmem:s0+$0xF298];
	_ =	sdelay $0x4  }
0x1b0: {  	[tilespmem:s2+$0xF298] =	vst.add.f32.msk $0xffff, v0  }
0x1b1: {  	v0 =	vld [tilespmem:s0+$0xF2A8]  }
.Ltmp26:
0x1b2: {  	_ = 	snop;
	(pc) =	sbr.rel .LBB2_33-.Ltmp26, $2  }
0x1b3: {  	_ =	sdelay $0x2  }
0x1b4: {  	[tilespmem:s2+$0xF2A8] =	vst.add.f32.msk $0xffff, v0  }
.LBB2_34:
0x1b5: {  	s0 =	simm.s32 $0x6;
	p1 =	seq.s32 s6, $0x0  }
0x1b6: {  	[sflag:s0] =	ssyncpa.u1 $0x1;
	v0 =	vimm.s32 @p1 $0xFFFFFFFF  }
0x1b7: {  	s9 =	sadd.s32 $0xFFFFFFFF, s6;
	[tilespmem:$0x10238] =	vst @p1 v0  }
0x1b8: {  	v0 =	vld.msk @!p1 [tilespmem:s9+$0xF218], $0x1;
	_ =	sdelay $0x1  }
0x1b9: {  	v1 =	vld.msk @!p1 [tilespmem:$0xF218], $0x1;
	_ =	sdelay $0x2  }
0x1ba: {  	p2 =	seq.s32 @!p1 s9, $0x0;
	v0 =	vbroadcast @!p1 v0, $0x0  }
0x1bb: {  	vm0 =	vmmov @!p1 $0x1;
	p2 =	por !p2, p1  }
0x1bc: {  	v1 =	vnsel @!p1 vm0, $0xFFFFFFFF, v1;
	vm0 =	vcmask @!p1 $0x308;
	v0 =	vpsel !p2, $0xFFFFFFFF, v0  }
0x1bd: {  	p2 =	sne.s32 @!p1 s8, s7;
	v0 =	vsel @!p1 vm0, v1, v0  }
0x1be: {  	s0 =	simm.s32 @!p1 $0xF238;
	s2 =	simm.s32 @!p1 $0x0;
	p3 =	por !p2, p1;
	[tilespmem:$0x10238] =	vst @!p1 v0  }
0x1bf: {  	[spmem:s2] =	stream.linear.scatter @!p1 [tilespmem:s0], [sflag:$0x1], $0x80, $0x38;
	[tilespmem:$0x1F6F8] =	vst v63  }
0x1c0: {  	s0 =	sshll.u32 @!p3 s9, $0x9  }
0x1c1: {  	s0 =	sshra.s32 @!p3 s0, $0x2  }
0x1c2: {  	s2 =	simm.s32 @!p3 $0x80;
	s0 =	sadd.s32 @!p3 $0xF238, s0  }
0x1c3: {  	[spmem:s2] =	stream.linear.scatter @!p3 [tilespmem:s0], [sflag:$0x1], $0x80, $0x38;
	[tilespmem:$0x1F6F8] =	vst v63  }
0x1c4: {  	s0 =	simm.s32 @!p3 $0x1  }
0x1c5: {  	_ =	swait.ge @!p3 [sflag:s0], $0x100  }
0x1c6: {  	p1 =	por p2, p1;
	[sflag:s0] =	ssyncset.done @!p3 $0x0  }
0x1c7: {  	[sflag:s0] =	ssyncadd.s32 @!p3 $0xFFFFFF00;
	s0 =	simm.s32 @!p1 $0x1  }
0x1c8: {  	_ =	swait.ge @!p1 [sflag:s0], $0x80  }
0x1c9: {  	s29 =	simm.s32 $0x10238;
	[sflag:s0] =	ssyncset.done @!p1 $0x0  }
0x1ca: {  	s30 =	simm.s32 $0x1000;
	s31 =	simm.s32 $0x1;
	[sflag:s0] =	ssyncadd.s32 @!p1 $0xFFFFFF80  }
0x1cb: {  	[spmem:s30] =	stream.linear.scatter [tilespmem:s29], [sflag:$0x1], $0x10, $0x38;
	[tilespmem:$0x1F6F8] =	vst v63  }
0x1cc: {  	_ =	swait.ge [sflag:s31], $0x10  }
0x1cd: {  	[sflag:s31] =	ssyncset.done $0x0  }
0x1ce: {  	p1 =	seq.s32 s15, $0x0;
	s8 =	rddreg [dreg:$0x1];
	[sflag:s31] =	ssyncadd.s32 $0xFFFFFFF0  }
0x1cf: {  	s2 =	sshll.u32 @p1 s8, $0xE;
	s7 =	rddreg [dreg:$0x2]  }
0x1d0: {  	s0 =	sadd.s32 @p1 $0x15C3C, s2;
	s2 =	sshll.u32 @p1 s7, $0x11  }
0x1d1: {  	_ =	sfence.stream.spmem;
	s0 =	sor.u32 @p1 s2, s0  }
0x1d2: {  	[sflag:s0] =	ssyncadd.remote.s32 @p1 $0x1;
	s0 =	simm.s32 @p1 $0x4  }
0x1d3: {  	s3 =	simm.s32 @!p1 $0x3C;
	s2 =	sand.u32 $0xFFFFFFFE, s8;
	_ =	swait.ge @p1 [sflag:s0], $0x22  }
0x1d4: {  	s4 =	simm.s32 @!p1 $0x0;
	s2 =	sadd.s32 @!p1 $0x4, s2;
	[sflag:s0] =	ssyncset.done @p1 $0x0  }
0x1d5: {  	s5 =	simm.s32 @!p1 $0x100;
	[sflag:s0] =	ssyncadd.s32 @p1 $0xFFFFFFDE;
	s0 =	sshll.u32 @!p1 s2, $0x1A  }
0x1d6: {  	s2 =	sshll.u32 @!p1 s2, $0xD;
	s0 =	sor.u32 @!p1 s0, s7;
	_ =	swait.eq @!p1 [sflag:s3], $0x1  }
0x1d7: {  	s2 =	sor.u32 @!p1 $0x1C04, s2;
	s3 =	simm.s32 @!p1 $0x1C03;
	s0 =	sor.u32 @!p1 $0x80004000, s0  }
0x1d8: {  	[spmem:s5], [sflag:s2] =	dma.general @!p1 [spmem:s4], [sflag:s3], length:$0x20, [dreg:$0x0], stride_count:$0x0, ici_dest:s0, dma_misc:DstOpCode:WRITE  }
0x1d9: {  	p2 =	slt.s32 s9, $0x2;
	s4 =	simm.s32 @!p1 $0x200;
	s5 =	simm.s32 @!p1 $0x202  }
0x1da: {  	[spmem:s5], [sflag:s2] =	dma.general @!p1 [spmem:s4], [sflag:s3], length:$0x2, [dreg:$0x0], stride_count:$0x0, ici_dest:s0, dma_misc:DstOpCode:WRITE  }
.Ltmp27:
0x1db: {  	s0 =	simm.s32 @!p1 $0x3;
	(pc) =	sbr.rel @p2 .LBB2_38-.Ltmp27, $4  }
0x1dc: {  	s2 =	sshll.u32 @!p1 s8, $0xE;
	_ =	swait.ge @!p1 [sflag:s0], $0x22  }
0x1dd: {  	s3 =	sshll.u32 @!p1 s7, $0x11;
	s2 =	sadd.s32 @!p1 $0x11C3C, s2;
	[sflag:s0] =	ssyncset.done @!p1 $0x0  }
0x1de: {  	[sflag:s0] =	ssyncadd.s32 @!p1 $0xFFFFFFDE;
	s0 =	sor.u32 @!p1 s3, s2  }
0x1df: {  	[sflag:s0] =	ssyncadd.remote.s32 @!p1 $0xFFFFFFFF;
	s0 =	simm.s32 $0x0  }
0x1e0: {  	s0 =	simm.s32 $0xF219  }
0x1e1: {  	v0 =	vld.msk [tilespmem:s0+$0x0], $0x1;
	_ =	sdelay $0x4  }
0x1e2: {  	(v2sf) =	vpush v0, $0x0;
	_ =	sdelay $0xb  }
0x1e3: {  	s31 =	sadd.s32 $0xFFFFFFFE, s6  }
0x1e4: {  	s0 =	sadd.s32 $0xFFFFFFFF, s31  }
0x1e5: {  	p2 =	sne.s32 s0, $0x0  }
.Ltmp28:
0x1e6: {  	s2 =	spop (v2sf);
	(pc) =	sbr.rel @!p2 .LBB2_37-.Ltmp28, $4  }
0x1e7: {  	s4 =	simm.s32 $0xF2B8;
	s7 =	simm.s32 $0x0;
	p1 =	sgt.u32 s2, $0x3FFFF0  }
0x1e8: {  	s5 =	simm.s32 $0x0;
	s6 =	simm.s32 $0xF21A;
	s3 =	sand.u32 @!p1 $0x3FFFF8, s2  }
0x1e9: {  	s2 =	sand.u32 @!p1 $0x7, s2;
	s7 =	simm.s32 @!p1 $0x200;
	s3 =	sadd.s32 @!p1 s1, s3  }
0x1ea: {  	[hbm4b:s3+s2] =	stream.linear.scatter @!p1 [tilespmem:s4], [sflag:$0x5], $0x80, $0x38;
	[tilespmem:$0x1F6F8] =	vst v63  }
.LBB2_36:
0x1eb: {  	v0 =	vld.msk [tilespmem:s6+$0x0], $0x1;
	s0 =	sadd.s32 $0xFFFFFFFF, s0;
	s5 =	sadd.s32 s5, s7  }
0x1ec: {  	p1 =	sne.s32 s0, $0x0;
	_ =	sdelay $0x3  }
0x1ed: {  	(v2sf) =	vpush v0, $0x0;
	_ =	sdelay $0xe  }
.Ltmp29:
0x1ee: {  	s2 =	spop (v2sf);
	(pc) =	sbr.rel @p1 .LBB2_36-.Ltmp29, $4  }
0x1ef: {  	s7 =	simm.s32 $0x0;
	p2 =	sgt.u32 s2, $0x3FFFF0  }
0x1f0: {  	s4 =	sadd.s32 $0x80, s4;
	s7 =	simm.s32 @!p2 $0x200;
	s3 =	sand.u32 @!p2 $0x3FFFF8, s2  }
0x1f1: {  	s6 =	sadd.s32 $0x1, s6;
	s2 =	sand.u32 @!p2 $0x7, s2;
	s3 =	sadd.s32 @!p2 s1, s3  }
0x1f2: {  	[hbm4b:s3+s2] =	stream.linear.scatter @!p2 [tilespmem:s4], [sflag:$0x5], $0x80, $0x38;
	[tilespmem:$0x1F6F8] =	vst v63  }
.LBB2_37:
0x1f3: {  	s0 =	sadd.s32 s5, s7  }
0x1f4: {  	s0 =	sshrl.u32 s0, $0x2  }
.LBB2_38:
0x1f5: {  	s2 =	simm.s32 $0x5  }
0x1f6: {  	_ =	swait.ge [sflag:s2], s0  }
0x1f7: {  	s31 =	ssub.s32 $0x0, s0;
	[sflag:s2] =	ssyncset.done $0x0  }
0x1f8: {  	[sflag:s2] =	ssyncadd.s32 s31  }
0x1f9: {  	[sflag:s2] =	ssyncpa.u1 $0x1  }
.LBB2_39:
0x1fa: {  	s0 =	sor.u32 s15, s16  }
0x1fb: {  	p1 =	sne.s32 s0, $0x0  }
.Ltmp30:
0x1fc: {  	_ = 	snop;
	(pc) =	sbr.rel @p1 .LBB2_54-.Ltmp30, $3  }
0x1fd: {  	_ =	sdelay $0x1  }
0x1fe: {  	[bflag:$0x0] =	sbarrier.arrive $0xFFFF  }
0x1ff: {  	_ =	sfence  }
0x200: {  	s0 =	simm.s32 $0x7  }
0x201: {  	s2 =	simm.s32 $0x1000;
	s3 =	simm.s32 $0xF218;
	[sflag:s0] =	ssyncpa.u1 $0x0  }
0x202: {  	[tilespmem:s3], [sflag:$0x7] =	stream.linear.gather [spmem:s2], $0x20, $0x38;
	[tilespmem:$0x1F6F8] =	vst v63  }
0x203: {  	s30 =	simm.s32 $0xF238;
	s2 =	simm.s32 $0x0  }
0x204: {  	[tilespmem:s30], [sflag:$0x7] =	stream.linear.gather [spmem:s2], $0x1000, $0x38;
	[tilespmem:$0x1F6F8] =	vst v63  }
.Ltmp31:
0x205: {  	_ = 	snop;
	(pc) =	sbr.rel .LBB2_41-.Ltmp31, $4  }
0x206: {  	_ =	swait.ge [sflag:s0], $0x1020  }
0x207: {  	[sflag:s0] =	ssyncset.done $0x0  }
0x208: {  	s31 =	simm.s32 $0x8;
	[sflag:s0] =	ssyncadd.s32 $0xFFFFEFE0  }
0x209: {  	s3 =	simm.s32 $0x0;
	[sflag:s31] =	ssyncpa.u1 $0x0  }
.LBB2_47:
0x20a: {  	p1 =	slt.u32 s4, $0x3FFFF1  }
0x20b: {  	s0 =	sand.u32 @p1 $0x3FFFF8, s4  }
0x20c: {  	s4 =	sand.u32 @p1 $0x7, s4;
	s5 =	simm.s32 @p1 $0xF188;
	s0 =	sadd.s32 @p1 s1, s0  }
0x20d: {  	[tilespmem:s5], [sflag:$0x8] =	stream.linear.gather @p1 [hbm4b:s0+s4], $0x80, $0x38;
	[tilespmem:$0x1F6F8] =	vst v63  }
0x20e: {  	s0 =	simm.s32 @p1 $0x8  }
0x20f: {  	_ =	swait.ge @p1 [sflag:s0], $0x80  }
0x210: {  	[sflag:s0] =	ssyncset.done @p1 $0x0  }
0x211: {  	[sflag:s0] =	ssyncadd.s32 @p1 $0xFFFFFF80  }
0x212: {  	v1 =	vld @p1 [tilespmem:$0xF188];
	_ =	sdelay $0x2  }
0x213: {  	s0 =	sshll.u32 @p1 s3, $0x9  }
0x214: {  	s4 =	sshrl.u32 @p1 s0, $0x2  }
0x215: {  	[tilespmem:s4+$0xF238] =	vst.add.f32.msk @p1 $0xffff, v1  }
0x216: {  	v1 =	vld @p1 [tilespmem:$0xF198];
	_ =	sdelay $0x4  }
0x217: {  	[tilespmem:s4+$0xF248] =	vst.add.f32.msk @p1 $0xffff, v1  }
0x218: {  	v1 =	vld @p1 [tilespmem:$0xF1A8];
	_ =	sdelay $0x4  }
0x219: {  	[tilespmem:s4+$0xF258] =	vst.add.f32.msk @p1 $0xffff, v1  }
0x21a: {  	v1 =	vld @p1 [tilespmem:$0xF1B8];
	_ =	sdelay $0x4  }
0x21b: {  	[tilespmem:s4+$0xF268] =	vst.add.f32.msk @p1 $0xffff, v1  }
0x21c: {  	v1 =	vld @p1 [tilespmem:$0xF1C8];
	_ =	sdelay $0x4  }
0x21d: {  	[tilespmem:s4+$0xF278] =	vst.add.f32.msk @p1 $0xffff, v1  }
0x21e: {  	v1 =	vld @p1 [tilespmem:$0xF1D8];
	_ =	sdelay $0x4  }
0x21f: {  	[tilespmem:s4+$0xF288] =	vst.add.f32.msk @p1 $0xffff, v1  }
0x220: {  	v1 =	vld @p1 [tilespmem:$0xF1E8];
	_ =	sdelay $0x4  }
0x221: {  	[tilespmem:s4+$0xF298] =	vst.add.f32.msk @p1 $0xffff, v1  }
0x222: {  	v1 =	vld @p1 [tilespmem:$0xF1F8];
	_ =	sdelay $0x3  }
0x223: {  	s5 =	sshll.u32 @!p1 s3, $0x9  }
0x224: {  	s5 =	smov.u32 @p1 s0;
	[tilespmem:s4+$0xF2A8] =	vst.add.f32.msk @p1 $0xffff, v1  }
0x225: {  	s0 =	sshrl.u32 s5, $0x2;
	[tilespmem:s2+$0xF218] =	vst.msk $0x1, v0  }
0x226: {  	v0 =	vld [tilespmem:s0+$0xF238];
	_ =	sdelay $0x2  }
0x227: {  	s31 =	sshll.u32 s2, $0x9  }
0x228: {  	s4 =	sshra.s32 s31, $0x2  }
0x229: {  	[tilespmem:s4+$0xF238] =	vst v0  }
0x22a: {  	v0 =	vld [tilespmem:s0+$0xF248];
	_ =	sdelay $0x4  }
0x22b: {  	[tilespmem:s4+$0xF248] =	vst v0  }
0x22c: {  	v0 =	vld [tilespmem:s0+$0xF258];
	_ =	sdelay $0x4  }
0x22d: {  	[tilespmem:s4+$0xF258] =	vst v0  }
0x22e: {  	v0 =	vld [tilespmem:s0+$0xF268];
	_ =	sdelay $0x4  }
0x22f: {  	[tilespmem:s4+$0xF268] =	vst v0  }
0x230: {  	v0 =	vld [tilespmem:s0+$0xF278];
	_ =	sdelay $0x4  }
0x231: {  	[tilespmem:s4+$0xF278] =	vst v0  }
0x232: {  	v0 =	vld [tilespmem:s0+$0xF288];
	_ =	sdelay $0x4  }
0x233: {  	[tilespmem:s4+$0xF288] =	vst v0  }
0x234: {  	v0 =	vld [tilespmem:s0+$0xF298];
	_ =	sdelay $0x4  }
0x235: {  	[tilespmem:s4+$0xF298] =	vst v0  }
0x236: {  	v0 =	vld [tilespmem:s0+$0xF2A8];
	_ =	sdelay $0x4  }
0x237: {  	s2 =	sadd.s32 $0x1, s2;
	[tilespmem:s4+$0xF2A8] =	vst v0  }
.LBB2_48:
0x238: {  	s3 =	sadd.s32 $0x1, s3  }
0x239: {  	p1 =	sne.s32 s3, $0x20  }
.Ltmp32:
0x23a: {  	_ = 	snop;
	(pc) =	sbr.rel @!p1 .LBB2_49-.Ltmp32, $1  }
0x23b: {  	_ =	sdelay $0x3  }
.LBB2_41:
0x23c: {  	v0 =	vld.msk [tilespmem:s3+$0xF218], $0x1;
	_ =	sdelay $0x4  }
0x23d: {  	(v2sf) =	vpush v0, $0x0;
	_ =	sdelay $0xe  }
0x23e: {  	s4 =	spop (v2sf)  }
0x23f: {  	p1 =	seq.s32 s4, $0xFFFFFFFF  }
.Ltmp33:
0x240: {  	_ = 	snop;
	(pc) =	sbr.rel @p1 .LBB2_48-.Ltmp33, $1  }
0x241: {  	_ =	sdelay $0x3  }
0x242: {  	p1 =	slt.s32 s2, $0x1  }
.Ltmp34:
0x243: {  	_ = 	snop;
	(pc) =	sbr.rel @p1 .LBB2_47-.Ltmp34, $1  }
0x244: {  	_ =	sdelay $0x3  }
0x245: {  	s5 =	simm.s32 $0xF218;
	p1 =	por $0x0, $0x0  }
0x246: {  	v1 =	vld.msk @!p1 [tilespmem:s5+$0x0], $0x1;
	_ =	sdelay $0x4  }
0x247: {  	(v2sf) =	vpush @!p1 v1, $0x0;
	_ =	sdelay $0xd  }
0x248: {  	p3 =	sne.s32 s2, $0x1  }
.Ltmp35:
0x249: {  	s0 =	spop @!p1 (v2sf);
	(pc) =	sbr.rel @!p3 .LBB2_45-.Ltmp35, $4  }
0x24a: {  	p2 =	seq.s32 @!p1 s4, s0  }
0x24b: {  	s6 =	simm.s32 $0x0;
	p2 =	por !p2, p1  }
0x24c: {  	s7 =	simm.s32 $0xFFFFFFFF;
	s6 =	simm.s32 @p2 $0xFFFFFFFF  }
0x24d: {  	s0 =	simm.s32 $0x1;
	s6 =	smov.u32 @p1 s7  }
.LBB2_44:
0x24e: {  	s7 =	smov.u32 s6;
	p1 =	sne.s32 s6, $0xFFFFFFFF  }
0x24f: {  	s5 =	sadd.s32 $0x1, s5;
	s6 =	smov.u32 s0;
	s0 =	sadd.s32 $0x1, s0  }
0x250: {  	p2 =	sne.s32 s2, s0;
	v1 =	vld.msk @!p1 [tilespmem:s5+$0x0], $0x1;
	_ =	sdelay $0x4  }
0x251: {  	(v2sf) =	vpush @!p1 v1, $0x0;
	_ =	sdelay $0xe  }
.Ltmp36:
0x252: {  	s8 =	spop @!p1 (v2sf);
	(pc) =	sbr.rel @p2 .LBB2_44-.Ltmp36, $4  }
0x253: {  	p3 =	seq.s32 @!p1 s4, s8  }
0x254: {  	p3 =	por !p3, p1  }
0x255: {  	s6 =	simm.s32 @p3 $0xFFFFFFFF  }
0x256: {  	s6 =	smov.u32 @p1 s7  }
.LBB2_45:
0x257: {  	p1 =	seq.s32 s6, $0xFFFFFFFF  }
.Ltmp37:
0x258: {  	_ = 	snop;
	(pc) =	sbr.rel @p1 .LBB2_47-.Ltmp37, $1  }
0x259: {  	_ =	sdelay $0x3  }
0x25a: {  	s0 =	sshll.u32 s3, $0x7  }
0x25b: {  	s0 =	sand.u32 $0x3FFFFF80, s0  }
0x25c: {  	v0 =	vld [tilespmem:s0+$0xF238];
	_ =	sdelay $0x2  }
0x25d: {  	s4 =	sshll.u32 s6, $0x9  }
0x25e: {  	s4 =	sshra.s32 s4, $0x2  }
0x25f: {  	[tilespmem:s4+$0xF238] =	vst.add.f32.msk $0xffff, v0  }
0x260: {  	v0 =	vld [tilespmem:s0+$0xF248];
	_ =	sdelay $0x4  }
0x261: {  	[tilespmem:s4+$0xF248] =	vst.add.f32.msk $0xffff, v0  }
0x262: {  	v0 =	vld [tilespmem:s0+$0xF258];
	_ =	sdelay $0x4  }
0x263: {  	[tilespmem:s4+$0xF258] =	vst.add.f32.msk $0xffff, v0  }
0x264: {  	v0 =	vld [tilespmem:s0+$0xF268];
	_ =	sdelay $0x4  }
0x265: {  	[tilespmem:s4+$0xF268] =	vst.add.f32.msk $0xffff, v0  }
0x266: {  	v0 =	vld [tilespmem:s0+$0xF278];
	_ =	sdelay $0x4  }
0x267: {  	[tilespmem:s4+$0xF278] =	vst.add.f32.msk $0xffff, v0  }
0x268: {  	v0 =	vld [tilespmem:s0+$0xF288];
	_ =	sdelay $0x4  }
0x269: {  	[tilespmem:s4+$0xF288] =	vst.add.f32.msk $0xffff, v0  }
0x26a: {  	v0 =	vld [tilespmem:s0+$0xF298];
	_ =	sdelay $0x4  }
0x26b: {  	[tilespmem:s4+$0xF298] =	vst.add.f32.msk $0xffff, v0  }
0x26c: {  	v0 =	vld [tilespmem:s0+$0xF2A8]  }
.Ltmp38:
0x26d: {  	_ = 	snop;
	(pc) =	sbr.rel .LBB2_48-.Ltmp38, $2  }
0x26e: {  	_ =	sdelay $0x2  }
0x26f: {  	[tilespmem:s4+$0xF2A8] =	vst.add.f32.msk $0xffff, v0  }
.LBB2_49:
0x270: {  	p1 =	slt.s32 s2, $0x1  }
.Ltmp39:
0x271: {  	_ = 	snop;
	(pc) =	sbr.rel @p1 .LBB2_53-.Ltmp39, $3  }
0x272: {  	_ =	sdelay $0x1  }
0x273: {  	s0 =	simm.s32 $0x8  }
0x274: {  	s3 =	simm.s32 $0x0;
	[sflag:s0] =	ssyncpa.u1 $0x1  }
0x275: {  	s0 =	simm.s32 $0xF218  }
0x276: {  	v0 =	vld.msk [tilespmem:s0+$0x0], $0x1;
	_ =	sdelay $0x4  }
0x277: {  	(v2sf) =	vpush v0, $0x0;
	_ =	sdelay $0xe  }
0x278: {  	s0 =	sadd.s32 $0xFFFFFFFF, s2;
	s5 =	spop (v2sf)  }
0x279: {  	p2 =	sne.s32 s0, $0x0;
	p1 =	sgt.u32 s5, $0x3FFFF0  }
.Ltmp40:
0x27a: {  	s6 =	sand.u32 @!p1 $0x3FFFF8, s5;
	(pc) =	sbr.rel @!p2 .LBB2_52-.Ltmp40, $4  }
0x27b: {  	s4 =	simm.s32 $0xF238;
	s5 =	sand.u32 @!p1 $0x7, s5;
	s2 =	sadd.s32 @!p1 s1, s6  }
0x27c: {  	[hbm4b:s2+s5] =	stream.linear.scatter @!p1 [tilespmem:s4], [sflag:$0x7], $0x80, $0x38;
	[tilespmem:$0x1F6F8] =	vst v63  }
0x27d: {  	s5 =	simm.s32 $0x0  }
0x27e: {  	s2 =	simm.s32 $0xF219;
	s5 =	simm.s32 @!p1 $0x200  }
.LBB2_51:
0x27f: {  	v0 =	vld.msk [tilespmem:s2+$0x0], $0x1;
	s0 =	sadd.s32 $0xFFFFFFFF, s0;
	s3 =	sadd.s32 s3, s5  }
0x280: {  	p1 =	sne.s32 s0, $0x0;
	_ =	sdelay $0x3  }
0x281: {  	(v2sf) =	vpush v0, $0x0;
	_ =	sdelay $0xe  }
.Ltmp41:
0x282: {  	s6 =	spop (v2sf);
	(pc) =	sbr.rel @p1 .LBB2_51-.Ltmp41, $4  }
0x283: {  	s5 =	simm.s32 $0x0;
	p2 =	sgt.u32 s6, $0x3FFFF0  }
0x284: {  	s4 =	sadd.s32 $0x80, s4;
	s5 =	simm.s32 @!p2 $0x200;
	s7 =	sand.u32 @!p2 $0x3FFFF8, s6  }
0x285: {  	s2 =	sadd.s32 $0x1, s2;
	s6 =	sand.u32 @!p2 $0x7, s6;
	s7 =	sadd.s32 @!p2 s1, s7  }
0x286: {  	[hbm4b:s7+s6] =	stream.linear.scatter @!p2 [tilespmem:s4], [sflag:$0x7], $0x80, $0x38;
	[tilespmem:$0x1F6F8] =	vst v63  }
.LBB2_52:
0x287: {  	s0 =	sadd.s32 s3, s5  }
0x288: {  	s3 =	sshrl.u32 s0, $0x2  }
.LBB2_53:
0x289: {  	s0 =	simm.s32 $0x7  }
0x28a: {  	_ =	swait.ge [sflag:s0], s3  }
0x28b: {  	s1 =	ssub.s32 $0x0, s3;
	[sflag:s0] =	ssyncset.done $0x0  }
0x28c: {  	[sflag:s0] =	ssyncadd.s32 s1  }
0x28d: {  	[sflag:s0] =	ssyncpa.u1 $0x1  }
.LBB2_54:
0x28e: {  	_ =	sfence;
	s0 =	simm.s32 $0x1  }
0x28f: {  	[sflag:s0] =	ssyncpa.u1 $0x1  }
0x290: {  	_ =	strace $0x9000004A  }
0x291: {  	[bflag:$0x2] =	sbarrier.arrive $0xFFFF  }
0x292: {  	s0 =	rddreg [dreg:$0x3]  }
0x293: {  	s0 =	sadd.s32 @!p0 $0x100000, s0  }
0x294: {  	[sflag:s0] =	ssyncadd.tile.s32 @!p0 $0x1;
	_ =	shalt  }
.Lfunc_end2:
_tile_overlayer_lowered:
.L_overlay_start_2:
0x295: {  	(tag) =	ssettag $0x2  }
0x296: {  	s0 =	rddreg [dreg:$0x0];
	s2 =	stileid.u32  }
0x297: {  	s1 =	rddreg [dreg:$0x1];
	p0 =	sne.s32 s2, $0x0  }
0x298: {  	s3 =	rddreg [dreg:$0x2];
	[bflag:$0x3] =	sbarrier.arrive $0xFFFF;
	s2 =	simm.s32 @!p0 $0x1C01  }
0x299: {  	[timem:s3], [sflag:s2] =	dma.local @!p0 [hbm:s0], s1  }
0x29a: {  	s0 =	simm.s32 @!p0 $0x1  }
0x29b: {  	_ =	swait.ge @!p0 [sflag:s0], s1  }
0x29c: {  	s1 =	ssub.s32 @!p0 $0x0, s1;
	[sflag:s0] =	ssyncset.done @!p0 $0x0  }
0x29d: {  	[sflag:s0] =	ssyncadd.s32 @!p0 s1  }
0x29e: {  	[bflag:$0x3] =	sbarrier.arrive $0xFFFF  }
0x29f: {  	_ =	shalt  }

</sc_bundles>
